<compile_context>
chip_gen: v7x
topology: tpu7x:2x2x1
jax: 0.10.2.dev20260603
libtpu: 0.0.44.dev20260713+nightly
codegen_flags: <defaults>
</compile_context>

<pallas_src>
import functools

import jax
import jax.numpy as jnp
import numpy as np
from jax import lax
from jax.experimental import pallas as pl
from jax.experimental.pallas import tpu as pltpu
from jax.experimental.pallas import tpu_sc as plsc

N = 512
U = 128
E = 8192

NC = 2
NS = 16
NW = NC * NS
EPW = E // NW
CHUNK = 128
NCHUNK = EPW // CHUNK
RPS = N // NS
DW = 128


def _sc_agg_body(with_deg, *args):
  if with_deg:
    (x_hbm, ei_hbm, s_out, deg_out,
     eidx, rows, ones_v, zbuf, acc, dacc,
     semz, semi, semg0, semg1, sems, semr) = args
  else:
    (x_hbm, ei_hbm, s_out,
     eidx, rows, zbuf, acc, semz, semi, semg0, semg1, sems, semr) = args
    deg_out = ones_v = dacc = None
  semg = (semg0, semg1)
  c = lax.axis_index("c")
  s = lax.axis_index("s")
  wid = s * NC + c
  row0 = s * RPS
  base = wid * EPW

  ic = [pltpu.async_copy(
      ei_hbm.at[pl.ds(0, 2), pl.ds(base + j * CHUNK, CHUNK)], eidx.at[j], semi)
      for j in range(NCHUNK)]

  z16 = jnp.zeros((16,), jnp.float32)

  def zrow(i, _):
    for cc in range(U // 16):
      zbuf[i, pl.ds(cc * 16, 16)] = z16
    return 0

  lax.fori_loop(0, RPS, zrow, 0)

  zc = [pltpu.async_copy(zbuf, acc.at[pl.ds(row0, RPS)], semz)]
  if with_deg:
    zc.append(pltpu.async_copy(zbuf, dacc.at[pl.ds(row0, RPS)], semz))
  for cp in ic:
    cp.wait()
  gc = [pltpu.async_copy(x_hbm.at[eidx.at[j, 0]], rows.at[j], semg[j])
        for j in range(NCHUNK)]
  if with_deg:
    o16 = jnp.ones((16,), jnp.float32)

    def orow(i, _):
      for cc in range(U // 16):
        ones_v[i, pl.ds(cc * 16, 16)] = o16
      return 0

    lax.fori_loop(0, CHUNK, orow, 0)
  for cp in zc:
    cp.wait()
  plsc.subcore_barrier()
  sc = []
  for j in range(NCHUNK):
    gc[j].wait()
    sc.append(pltpu.async_copy(rows.at[j], acc.at[eidx.at[j, 1]], sems,
                               add=True))
    if with_deg:
      sc.append(pltpu.async_copy(ones_v, dacc.at[eidx.at[j, 1]], sems,
                                 add=True))
  for cp in sc:
    cp.wait()
  plsc.subcore_barrier()
  rc = [pltpu.async_copy(acc.at[pl.ds(row0, RPS)],
                         s_out.at[c, pl.ds(row0, RPS)], semr)]
  if with_deg:
    rc.append(pltpu.async_copy(dacc.at[pl.ds(row0, RPS)],
                               deg_out.at[c, pl.ds(row0, RPS)], semr))
  for cp in rc:
    cp.wait()


@functools.lru_cache(maxsize=None)
def _make_sc_agg(with_deg):
  out_type = [jax.ShapeDtypeStruct((NC, N, U), jnp.float32)]
  if with_deg:
    out_type.append(jax.ShapeDtypeStruct((NC, N, DW), jnp.float32))
  scratch = [
      pltpu.VMEM((NCHUNK, 2, CHUNK), jnp.int32),
      pltpu.VMEM((NCHUNK, CHUNK, U), jnp.float32),
  ]
  if with_deg:
    scratch.append(pltpu.VMEM((CHUNK, DW), jnp.float32))
  scratch.append(pltpu.VMEM((RPS, U), jnp.float32))
  scratch.append(pltpu.VMEM_SHARED((N, U), jnp.float32))
  if with_deg:
    scratch.append(pltpu.VMEM_SHARED((N, DW), jnp.float32))
  scratch.extend([pltpu.SemaphoreType.DMA] * (4 + NCHUNK))
  return pl.kernel(
      functools.partial(_sc_agg_body, with_deg),
      out_type=out_type,
      mesh=plsc.VectorSubcoreMesh(core_axis_name="c", subcore_axis_name="s",
                                  num_cores=NC, num_subcores=NS),
      scratch_types=scratch,
      name="sage_segment_sum" + ("_deg" if with_deg else ""),
  )


def _dotT(a, w, precision=lax.Precision.DEFAULT):
  return lax.dot_general(a, w, (((1,), (1,)), ((), ())),
                         preferred_element_type=jnp.float32,
                         precision=precision)


def _dotN(a, w, precision=lax.Precision.HIGHEST):
  return lax.dot_general(a, w, (((1,), (0,)), ((), ())),
                         preferred_element_type=jnp.float32,
                         precision=precision)


def _dense_first_body(s_ref, degw_ref, x_ref, wl_ref, bl_ref, wr_ref,
                      o_ref, deg_ref):
  deg = jnp.maximum(degw_ref[0, :, 0:1] + degw_ref[1, :, 0:1], 1.0)
  deg_ref[...] = deg
  mean = (s_ref[0] + s_ref[1]) / deg
  o_ref[...] = jnp.tanh(_dotT(mean, wl_ref[...]) + bl_ref[...]
                        + _dotT(x_ref[...], wr_ref[...]))


def _dense_body(s_ref, deg_ref, x_ref, wl_ref, bl_ref, wr_ref, o_ref):
  mean = (s_ref[0] + s_ref[1]) / deg_ref[...]
  o_ref[...] = jnp.tanh(_dotT(mean, wl_ref[...]) + bl_ref[...]
                        + _dotT(x_ref[...], wr_ref[...]))


def _final_body(s_ref, deg_ref, h_ref,
                wla_ref, bla_ref, wra_ref,
                wlc_ref, blc_ref, wrc_ref,
                wa_ref, wc_ref, bc_ref, rrep_ref, ttile_ref,
                ea_ref, ec_ref):
  mean = (s_ref[0] + s_ref[1]) / deg_ref[...]
  h = h_ref[...]
  xa = _dotT(mean, wla_ref[...]) + bla_ref[...] + _dotT(h, wra_ref[...])
  xc = _dotT(mean, wlc_ref[...]) + blc_ref[...] + _dotT(h, wrc_ref[...])
  wa = wa_ref[...]
  a = _dotT(xa, wa[:, :U])
  b4 = jnp.concatenate(
      [_dotT(wa[:, U:], xa[k * 128:(k + 1) * 128, :]) for k in range(4)],
      axis=0)
  cv = _dotT(xc, wc_ref[...])
  ma = jnp.max(a)
  mb = jnp.max(b4)
  lse = (ma + mb + jnp.log(jnp.sum(jnp.exp(a - ma)))
         + jnp.log(jnp.sum(jnp.exp(b4 - mb))))
  hi = lax.Precision.HIGHEST
  a_shift = a - lse
  a_rep = jnp.concatenate(
      [_dotN(rrep_ref[...], a_shift[128 * m:128 * (m + 1), :], hi)
       for m in range(4)], axis=0)
  b_tile = _dotN(ttile_ref[...], b4, hi)
  ea_ref[...] = a_rep + b_tile
  ec_ref[...] = jnp.tanh(jnp.mean(cv) + bc_ref[0, 0]).reshape(1, 1)


@functools.lru_cache(maxsize=None)
def _rrep():
  r = np.zeros((N, 128), np.float32)
  r[np.arange(N), np.arange(N) // 4] = 1.0
  return r


@functools.lru_cache(maxsize=None)
def _ttile():
  t = np.zeros((4 * N, 4), np.float32)
  t[np.arange(4 * N), np.arange(4 * N) % 4] = 1.0
  return t


def _dense(s_parts, deg, x, wl, bl, wr):
  return pl.pallas_call(
      _dense_body,
      out_shape=jax.ShapeDtypeStruct((N, U), jnp.float32),
  )(s_parts, deg, x, wl, bl.reshape(1, U), wr)


def kernel(x, edge_index, batch,
           Wl_first, bl_first, Wr_first,
           Wl_common, bl_common, Wr_common,
           Wl_actor, bl_actor, Wr_actor,
           Wl_critic, bl_critic, Wr_critic,
           Wa, ba, Wc, bc):
  ei = edge_index.astype(jnp.int32)

  s_x, degw = _make_sc_agg(True)(x, ei)
  h1, deg = pl.pallas_call(
      _dense_first_body,
      out_shape=[
          jax.ShapeDtypeStruct((N, U), jnp.float32),
          jax.ShapeDtypeStruct((N, 1), jnp.float32),
      ],
  )(s_x, degw, x, Wl_first, bl_first.reshape(1, U), Wr_first)
  (s_h1,) = _make_sc_agg(False)(h1, ei)
  h = _dense(s_h1, deg, h1, Wl_common, bl_common, Wr_common)
  (s_h,) = _make_sc_agg(False)(h, ei)

  ea, ec = pl.pallas_call(
      _final_body,
      out_shape=[
          jax.ShapeDtypeStruct((4 * N, 128), jnp.float32),
          jax.ShapeDtypeStruct((1, 1), jnp.float32),
      ],
  )(s_h, deg, h,
    Wl_actor, bl_actor.reshape(1, U), Wr_actor,
    Wl_critic, bl_critic.reshape(1, U), Wr_critic,
    Wa, Wc, bc.reshape(1, 1), _rrep(), _ttile())

  return ea.reshape(N * N, 1), ec

# --- scband reference (transcript-rebuilt; emitter-appended) ---
"""Pipeline reference for scband-a2-cmodel-44461501449118 (READ-ONLY COPY).

The authoritative reference and input builder live on the scoring server;
editing this copy changes nothing except your own understanding.
"""

import jax, jax.numpy as jnp
import numpy as np

N = 512
U = 128
E = 8192


def sage(x, edge_index, Wl, bl, Wr):
    # torch_geometric SAGEConv: out = lin_l(mean_j x_j) + lin_r(x_i), bias only on lin_l
    src = edge_index[0]
    dst = edge_index[1]
    msg = x[src]
    s = jax.ops.segment_sum(msg, dst, num_segments=x.shape[0])
    deg = jax.ops.segment_sum(jnp.ones((edge_index.shape[1],), x.dtype), dst, num_segments=x.shape[0])
    mean = s / jnp.clip(deg, 1.0)[:, None]
    return mean @ Wl.T + bl + x @ Wr.T


def setup_inputs(seed: int = 0) -> dict:
    key = jax.random.key(seed)
    ks = jax.random.split(key, 24)
    sc = 1.0 / np.sqrt(U)
    inp = {}
    inp['x'] = jax.random.normal(ks[0], (N, U), dtype=jnp.float32)
    inp['edge_index'] = jax.random.randint(ks[1], (2, E), 0, N)
    inp['batch'] = jnp.zeros((N,), dtype=jnp.int32)
    names = ['first', 'common', 'actor', 'critic']
    for i, nm in enumerate(names):
        inp['Wl_' + nm] = jax.random.normal(ks[2 + 3 * i], (U, U), dtype=jnp.float32) * sc
        inp['bl_' + nm] = jnp.zeros((U,), dtype=jnp.float32)
        inp['Wr_' + nm] = jax.random.normal(ks[3 + 3 * i], (U, U), dtype=jnp.float32) * sc
    inp['Wa'] = jax.random.normal(ks[20], (1, 2 * U), dtype=jnp.float32) * (1.0 / np.sqrt(2 * U))
    inp['ba'] = jnp.zeros((1,), dtype=jnp.float32)
    inp['Wc'] = jax.random.normal(ks[21], (1, U), dtype=jnp.float32) * sc
    inp['bc'] = jnp.zeros((1,), dtype=jnp.float32)
    return inp


def reference(x, edge_index, batch,
              Wl_first, bl_first, Wr_first,
              Wl_common, bl_common, Wr_common,
              Wl_actor, bl_actor, Wr_actor,
              Wl_critic, bl_critic, Wr_critic,
              Wa, ba, Wc, bc):
    h = jnp.tanh(sage(x, edge_index, Wl_first, bl_first, Wr_first))
    h = jnp.tanh(sage(h, edge_index, Wl_common, bl_common, Wr_common))
    # actor branch (actor_layers == 1, so no activation after last conv)
    x_actor = sage(h, edge_index, Wl_actor, bl_actor, Wr_actor)
    n = h.shape[0]
    left = jnp.repeat(x_actor, n, axis=0)          # row i repeated n times, i outer loop
    right = jnp.tile(x_actor, (n, 1))
    edge_actor = jnp.concatenate([left, right], axis=-1) @ Wa.T + ba  # [n*n, 1]
    edge_actor = jax.nn.log_softmax(edge_actor, axis=0)
    # critic branch (training mode): detach common features
    x_critic = jax.lax.stop_gradient(h)
    x_critic = sage(x_critic, edge_index, Wl_critic, bl_critic, Wr_critic)
    edge_critic = (jnp.repeat(x_critic, n, axis=0) + jnp.tile(x_critic, (n, 1))) / 2.0
    edge_critic = edge_critic @ Wc.T + bc           # [n*n, 1]
    # global_mean_pool with batch == all zeros -> mean over all rows -> [1, 1]
    edge_critic = jnp.tanh(jnp.mean(edge_critic, axis=0, keepdims=True))
    return (edge_actor, edge_critic)

if __name__ == "__main__":
    import jax
    _d = setup_inputs()
    print(jax.jit(kernel)(*tuple(_d.values())))

</pallas_src>

<mosaic_0001>
#map = affine_map<(d0, d1) -> (0, 0)>
#map1 = affine_map<(d0, d1) -> (0, 0, 0)>
module attributes {stable_mosaic.version = 14 : i64} {
  func.func @sage_segment_sum(%arg0: i32, %arg1: i32, %arg2: memref<512x128xf32, #tpu.memory_space<hbm>>, %arg3: memref<2x8192xi32, #tpu.memory_space<hbm>>, %arg4: memref<2x512x128xf32, #tpu.memory_space<hbm>>, %arg5: memref<2x2x128xi32, #tpu.memory_space<vmem>>, %arg6: memref<2x128x128xf32, #tpu.memory_space<vmem>>, %arg7: memref<32x128xf32, #tpu.memory_space<vmem>>, %arg8: memref<512x128xf32, #tpu.memory_space<vmem_shared>>, %arg9: memref<!tpu.dma_semaphore, #tpu.memory_space<semaphore_mem>>, %arg10: memref<!tpu.dma_semaphore, #tpu.memory_space<semaphore_mem>>, %arg11: memref<!tpu.dma_semaphore, #tpu.memory_space<semaphore_mem>>, %arg12: memref<!tpu.dma_semaphore, #tpu.memory_space<semaphore_mem>>, %arg13: memref<!tpu.dma_semaphore, #tpu.memory_space<semaphore_mem>>, %arg14: memref<!tpu.dma_semaphore, #tpu.memory_space<semaphore_mem>>) attributes {dimension_semantics = [#tpu.dimension_semantics<core_parallel>, #tpu.dimension_semantics<subcore_parallel>], iteration_bounds = array<i64: 2, 16>, scalar_prefetch = 0 : i64, scratch_operands = 10 : i64, tpu.core_type = #tpu.core_type<sc_vector_subcore>, window_params = [{transform_indices = #map}, {transform_indices = #map}, {transform_indices = #map1}]} {
    %mul3A = arith.constant 2 : i32
    %mul3A_0 = arith.muli %arg1, %mul3A : i32
    %add3A = arith.addi %mul3A_0, %arg0 : i32
    %mul3A_1 = arith.constant 32 : i32
    %mul3A_2 = arith.muli %arg1, %mul3A_1 : i32
    %mul3A_3 = arith.constant 256 : i32
    %mul3A_4 = arith.muli %add3A, %mul3A_3 : i32
    %add3A_5 = arith.constant 0 : i32
    %add3A_6 = arith.addi %mul3A_4, %add3A_5 : i32
    %dma_start3A = arith.constant 0 : i32
    %dma_start3A_7 = arith.constant 0 : i32
    %dma_start3A_8 = arith.constant 0 : i32
    %dma_start3A_9 = tpu.memref_slice %arg5[%dma_start3A, %dma_start3A_7, %dma_start3A_8] : memref<2x2x128xi32, #tpu.memory_space<vmem>> -> memref<1x2x128xi32, #tpu.memory_space<vmem>>
    %dma_start3A_10 = tpu.memref_squeeze %dma_start3A_9 : memref<1x2x128xi32, #tpu.memory_space<vmem>> -> memref<2x128xi32, #tpu.memory_space<vmem>>
    %dma_start3A_11 = arith.constant 0 : i32
    %dma_start3A_12 = tpu.memref_slice %arg3[%dma_start3A_11, %add3A_6] : memref<2x8192xi32, #tpu.memory_space<hbm>> -> memref<2x128xi32, #tpu.memory_space<hbm>>
    %dma_start3A_13 = arith.constant 0 : i32
    %dma_start3A_14 = arith.constant 0 : i32
    %dma_start3A_15 = tpu.memref_slice %arg5[%dma_start3A, %dma_start3A_13, %dma_start3A_14] : memref<2x2x128xi32, #tpu.memory_space<vmem>> -> memref<1x2x128xi32, #tpu.memory_space<vmem>>
    %dma_start3A_16 = tpu.memref_squeeze %dma_start3A_15 : memref<1x2x128xi32, #tpu.memory_space<vmem>> -> memref<2x128xi32, #tpu.memory_space<vmem>>
    %dma_start3A_17 = arith.constant 0 : i32
    %dma_start3A_18 = tpu.memref_slice %arg3[%dma_start3A_17, %add3A_6] : memref<2x8192xi32, #tpu.memory_space<hbm>> -> memref<2x128xi32, #tpu.memory_space<hbm>>
    tpu.enqueue_dma source(%dma_start3A_18 : memref<2x128xi32, #tpu.memory_space<hbm>>) target(%dma_start3A_16 : memref<2x128xi32, #tpu.memory_space<vmem>>) target_semaphore(%arg10 : memref<!tpu.dma_semaphore, #tpu.memory_space<semaphore_mem>>)
    %add3A_19 = arith.constant 128 : i32
    %add3A_20 = arith.addi %mul3A_4, %add3A_19 : i32
    %dma_start3A_21 = arith.constant 1 : i32
    %dma_start3A_22 = arith.constant 0 : i32
    %dma_start3A_23 = arith.constant 0 : i32
    %dma_start3A_24 = tpu.memref_slice %arg5[%dma_start3A_21, %dma_start3A_22, %dma_start3A_23] : memref<2x2x128xi32, #tpu.memory_space<vmem>> -> memref<1x2x128xi32, #tpu.memory_space<vmem>>
    %dma_start3A_25 = tpu.memref_squeeze %dma_start3A_24 : memref<1x2x128xi32, #tpu.memory_space<vmem>> -> memref<2x128xi32, #tpu.memory_space<vmem>>
    %dma_start3A_26 = arith.constant 0 : i32
    %dma_start3A_27 = tpu.memref_slice %arg3[%dma_start3A_26, %add3A_20] : memref<2x8192xi32, #tpu.memory_space<hbm>> -> memref<2x128xi32, #tpu.memory_space<hbm>>
    %dma_start3A_28 = arith.constant 0 : i32
    %dma_start3A_29 = arith.constant 0 : i32
    %dma_start3A_30 = tpu.memref_slice %arg5[%dma_start3A_21, %dma_start3A_28, %dma_start3A_29] : memref<2x2x128xi32, #tpu.memory_space<vmem>> -> memref<1x2x128xi32, #tpu.memory_space<vmem>>
    %dma_start3A_31 = tpu.memref_squeeze %dma_start3A_30 : memref<1x2x128xi32, #tpu.memory_space<vmem>> -> memref<2x128xi32, #tpu.memory_space<vmem>>
    %dma_start3A_32 = arith.constant 0 : i32
    %dma_start3A_33 = tpu.memref_slice %arg3[%dma_start3A_32, %add3A_20] : memref<2x8192xi32, #tpu.memory_space<hbm>> -> memref<2x128xi32, #tpu.memory_space<hbm>>
    tpu.enqueue_dma source(%dma_start3A_33 : memref<2x128xi32, #tpu.memory_space<hbm>>) target(%dma_start3A_31 : memref<2x128xi32, #tpu.memory_space<vmem>>) target_semaphore(%arg10 : memref<!tpu.dma_semaphore, #tpu.memory_space<semaphore_mem>>)
    %broadcast_in_dim3A = arith.constant 0.000000e+00 : f32
    %broadcast_in_dim3A_34 = vector.broadcast %broadcast_in_dim3A : f32 to vector<16xf32>
    %scan3A = arith.constant 0 : i32
    %scan3A_35 = arith.constant 0 : i32
    %scan3A_36 = arith.constant 32 : i32
    %scan3A_37 = arith.addi %scan3A_35, %scan3A_36 : i32
    %scan3A_38 = arith.constant 1 : i32
    %scan3A_39 = scf.for %scan3A_189 = %scan3A_35 to %scan3A_37 step %scan3A_38 iter_args(%scan3A_190 = %scan3A) -> (i32)  : i32 {
      %swap3A = arith.index_cast %scan3A_189 : i32 to index
      %swap3A_191 = arith.constant 0 : index
      %swap3A_192 = tpu.vector_load %arg7[%swap3A, %swap3A_191] {strides = array<i32>} : memref<32x128xf32, #tpu.memory_space<vmem>>, vector<1x16xf32>,
      %swap3A_193 = vector.shape_cast %swap3A_192 : vector<1x16xf32> to vector<16xf32>
      %swap3A_194 = vector.shape_cast %broadcast_in_dim3A_34 : vector<16xf32> to vector<1x16xf32>
      tpu.vector_store %arg7[%swap3A, %swap3A_191], %swap3A_194 {strides = array<i32>} : memref<32x128xf32, #tpu.memory_space<vmem>>, vector<1x16xf32>,
      %swap3A_195 = arith.index_cast %scan3A_189 : i32 to index
      %swap3A_196 = arith.constant 16 : index
      %swap3A_197 = tpu.vector_load %arg7[%swap3A_195, %swap3A_196] {strides = array<i32>} : memref<32x128xf32, #tpu.memory_space<vmem>>, vector<1x16xf32>,
      %swap3A_198 = vector.shape_cast %swap3A_197 : vector<1x16xf32> to vector<16xf32>
      %swap3A_199 = vector.shape_cast %broadcast_in_dim3A_34 : vector<16xf32> to vector<1x16xf32>
      tpu.vector_store %arg7[%swap3A_195, %swap3A_196], %swap3A_199 {strides = array<i32>} : memref<32x128xf32, #tpu.memory_space<vmem>>, vector<1x16xf32>,
      %swap3A_200 = arith.index_cast %scan3A_189 : i32 to index
      %swap3A_201 = arith.constant 32 : index
      %swap3A_202 = tpu.vector_load %arg7[%swap3A_200, %swap3A_201] {strides = array<i32>} : memref<32x128xf32, #tpu.memory_space<vmem>>, vector<1x16xf32>,
      %swap3A_203 = vector.shape_cast %swap3A_202 : vector<1x16xf32> to vector<16xf32>
      %swap3A_204 = vector.shape_cast %broadcast_in_dim3A_34 : vector<16xf32> to vector<1x16xf32>
      tpu.vector_store %arg7[%swap3A_200, %swap3A_201], %swap3A_204 {strides = array<i32>} : memref<32x128xf32, #tpu.memory_space<vmem>>, vector<1x16xf32>,
      %swap3A_205 = arith.index_cast %scan3A_189 : i32 to index
      %swap3A_206 = arith.constant 48 : index
      %swap3A_207 = tpu.vector_load %arg7[%swap3A_205, %swap3A_206] {strides = array<i32>} : memref<32x128xf32, #tpu.memory_space<vmem>>, vector<1x16xf32>,
      %swap3A_208 = vector.shape_cast %swap3A_207 : vector<1x16xf32> to vector<16xf32>
      %swap3A_209 = vector.shape_cast %broadcast_in_dim3A_34 : vector<16xf32> to vector<1x16xf32>
      tpu.vector_store %arg7[%swap3A_205, %swap3A_206], %swap3A_209 {strides = array<i32>} : memref<32x128xf32, #tpu.memory_space<vmem>>, vector<1x16xf32>,
      %swap3A_210 = arith.index_cast %scan3A_189 : i32 to index
      %swap3A_211 = arith.constant 64 : index
      %swap3A_212 = tpu.vector_load %arg7[%swap3A_210, %swap3A_211] {strides = array<i32>} : memref<32x128xf32, #tpu.memory_space<vmem>>, vector<1x16xf32>,
      %swap3A_213 = vector.shape_cast %swap3A_212 : vector<1x16xf32> to vector<16xf32>
      %swap3A_214 = vector.shape_cast %broadcast_in_dim3A_34 : vector<16xf32> to vector<1x16xf32>
      tpu.vector_store %arg7[%swap3A_210, %swap3A_211], %swap3A_214 {strides = array<i32>} : memref<32x128xf32, #tpu.memory_space<vmem>>, vector<1x16xf32>,
      %swap3A_215 = arith.index_cast %scan3A_189 : i32 to index
      %swap3A_216 = arith.constant 80 : index
      %swap3A_217 = tpu.vector_load %arg7[%swap3A_215, %swap3A_216] {strides = array<i32>} : memref<32x128xf32, #tpu.memory_space<vmem>>, vector<1x16xf32>,
      %swap3A_218 = vector.shape_cast %swap3A_217 : vector<1x16xf32> to vector<16xf32>
      %swap3A_219 = vector.shape_cast %broadcast_in_dim3A_34 : vector<16xf32> to vector<1x16xf32>
      tpu.vector_store %arg7[%swap3A_215, %swap3A_216], %swap3A_219 {strides = array<i32>} : memref<32x128xf32, #tpu.memory_space<vmem>>, vector<1x16xf32>,
      %swap3A_220 = arith.index_cast %scan3A_189 : i32 to index
      %swap3A_221 = arith.constant 96 : index
      %swap3A_222 = tpu.vector_load %arg7[%swap3A_220, %swap3A_221] {strides = array<i32>} : memref<32x128xf32, #tpu.memory_space<vmem>>, vector<1x16xf32>,
      %swap3A_223 = vector.shape_cast %swap3A_222 : vector<1x16xf32> to vector<16xf32>
      %swap3A_224 = vector.shape_cast %broadcast_in_dim3A_34 : vector<16xf32> to vector<1x16xf32>
      tpu.vector_store %arg7[%swap3A_220, %swap3A_221], %swap3A_224 {strides = array<i32>} : memref<32x128xf32, #tpu.memory_space<vmem>>, vector<1x16xf32>,
      %swap3A_225 = arith.index_cast %scan3A_189 : i32 to index
      %swap3A_226 = arith.constant 112 : index
      %swap3A_227 = tpu.vector_load %arg7[%swap3A_225, %swap3A_226] {strides = array<i32>} : memref<32x128xf32, #tpu.memory_space<vmem>>, vector<1x16xf32>,
      %swap3A_228 = vector.shape_cast %swap3A_227 : vector<1x16xf32> to vector<16xf32>
      %swap3A_229 = vector.shape_cast %broadcast_in_dim3A_34 : vector<16xf32> to vector<1x16xf32>
      tpu.vector_store %arg7[%swap3A_225, %swap3A_226], %swap3A_229 {strides = array<i32>} : memref<32x128xf32, #tpu.memory_space<vmem>>, vector<1x16xf32>,
      %scan3A_230 = arith.constant 0 : i32
      scf.yield %scan3A_230 : i32
    }
    %scan3A_40 = arith.constant 32 : i32
    %dma_start3A_41 = arith.constant 0 : i32
    %dma_start3A_42 = tpu.memref_slice %arg8[%mul3A_2, %dma_start3A_41] : memref<512x128xf32, #tpu.memory_space<vmem_shared>> -> memref<32x128xf32, #tpu.memory_space<vmem_shared>>
    %dma_start3A_43 = arith.constant 0 : i32
    %dma_start3A_44 = tpu.memref_slice %arg8[%mul3A_2, %dma_start3A_43] : memref<512x128xf32, #tpu.memory_space<vmem_shared>> -> memref<32x128xf32, #tpu.memory_space<vmem_shared>>
    tpu.enqueue_dma source(%arg7 : memref<32x128xf32, #tpu.memory_space<vmem>>) target(%dma_start3A_44 : memref<32x128xf32, #tpu.memory_space<vmem_shared>>) target_semaphore(%arg9 : memref<!tpu.dma_semaphore, #tpu.memory_space<semaphore_mem>>)
    %dma_wait3A = arith.constant 0 : i32
    %dma_wait3A_45 = arith.constant 0 : i32
    %dma_wait3A_46 = arith.constant 0 : i32
    %dma_wait3A_47 = tpu.memref_slice %arg5[%dma_wait3A, %dma_wait3A_45, %dma_wait3A_46] : memref<2x2x128xi32, #tpu.memory_space<vmem>> -> memref<1x2x128xi32, #tpu.memory_space<vmem>>
    %dma_wait3A_48 = tpu.memref_squeeze %dma_wait3A_47 : memref<1x2x128xi32, #tpu.memory_space<vmem>> -> memref<2x128xi32, #tpu.memory_space<vmem>>
    %dma_wait3A_49 = arith.constant 0 : i32
    %dma_wait3A_50 = tpu.memref_slice %arg3[%dma_wait3A_49, %add3A_6] : memref<2x8192xi32, #tpu.memory_space<hbm>> -> memref<2x128xi32, #tpu.memory_space<hbm>>
    %dma_wait3A_51 = arith.constant 0 : i32
    %dma_wait3A_52 = arith.constant 0 : i32
    %dma_wait3A_53 = tpu.memref_slice %arg5[%dma_wait3A, %dma_wait3A_51, %dma_wait3A_52] : memref<2x2x128xi32, #tpu.memory_space<vmem>> -> memref<1x2x128xi32, #tpu.memory_space<vmem>>
    %dma_wait3A_54 = tpu.memref_squeeze %dma_wait3A_53 : memref<1x2x128xi32, #tpu.memory_space<vmem>> -> memref<2x128xi32, #tpu.memory_space<vmem>>
    %dma_wait3A_55 = arith.constant 0 : i32
    %dma_wait3A_56 = tpu.memref_slice %arg3[%dma_wait3A_55, %add3A_6] : memref<2x8192xi32, #tpu.memory_space<hbm>> -> memref<2x128xi32, #tpu.memory_space<hbm>>
    tpu.wait_dma2 semaphore(%arg10 : memref<!tpu.dma_semaphore, #tpu.memory_space<semaphore_mem>>) src(%dma_wait3A_56 : memref<2x128xi32, #tpu.memory_space<hbm>>) dst(%dma_wait3A_54 : memref<2x128xi32, #tpu.memory_space<vmem>>)
    %dma_wait3A_57 = arith.constant 1 : i32
    %dma_wait3A_58 = arith.constant 0 : i32
    %dma_wait3A_59 = arith.constant 0 : i32
    %dma_wait3A_60 = tpu.memref_slice %arg5[%dma_wait3A_57, %dma_wait3A_58, %dma_wait3A_59] : memref<2x2x128xi32, #tpu.memory_space<vmem>> -> memref<1x2x128xi32, #tpu.memory_space<vmem>>
    %dma_wait3A_61 = tpu.memref_squeeze %dma_wait3A_60 : memref<1x2x128xi32, #tpu.memory_space<vmem>> -> memref<2x128xi32, #tpu.memory_space<vmem>>
    %dma_wait3A_62 = arith.constant 0 : i32
    %dma_wait3A_63 = tpu.memref_slice %arg3[%dma_wait3A_62, %add3A_20] : memref<2x8192xi32, #tpu.memory_space<hbm>> -> memref<2x128xi32, #tpu.memory_space<hbm>>
    %dma_wait3A_64 = arith.constant 0 : i32
    %dma_wait3A_65 = arith.constant 0 : i32
    %dma_wait3A_66 = tpu.memref_slice %arg5[%dma_wait3A_57, %dma_wait3A_64, %dma_wait3A_65] : memref<2x2x128xi32, #tpu.memory_space<vmem>> -> memref<1x2x128xi32, #tpu.memory_space<vmem>>
    %dma_wait3A_67 = tpu.memref_squeeze %dma_wait3A_66 : memref<1x2x128xi32, #tpu.memory_space<vmem>> -> memref<2x128xi32, #tpu.memory_space<vmem>>
    %dma_wait3A_68 = arith.constant 0 : i32
    %dma_wait3A_69 = tpu.memref_slice %arg3[%dma_wait3A_68, %add3A_20] : memref<2x8192xi32, #tpu.memory_space<hbm>> -> memref<2x128xi32, #tpu.memory_space<hbm>>
    tpu.wait_dma2 semaphore(%arg10 : memref<!tpu.dma_semaphore, #tpu.memory_space<semaphore_mem>>) src(%dma_wait3A_69 : memref<2x128xi32, #tpu.memory_space<hbm>>) dst(%dma_wait3A_67 : memref<2x128xi32, #tpu.memory_space<vmem>>)
    %dma_start3A_70 = arith.constant 0 : i32
    %dma_start3A_71 = arith.constant 0 : i32
    %dma_start3A_72 = arith.constant 0 : i32
    %dma_start3A_73 = arith.constant 0 : i32
    %dma_start3A_74 = arith.constant 0 : i32
    %dma_start3A_75 = tpu.memref_slice %arg6[%dma_start3A_72, %dma_start3A_73, %dma_start3A_74] : memref<2x128x128xf32, #tpu.memory_space<vmem>> -> memref<1x128x128xf32, #tpu.memory_space<vmem>>
    %dma_start3A_76 = tpu.memref_squeeze %dma_start3A_75 : memref<1x128x128xf32, #tpu.memory_space<vmem>> -> memref<128x128xf32, #tpu.memory_space<vmem>>
    %dma_start3A_77 = arith.constant 0 : i32
    %dma_start3A_78 = tpu.memref_slice %arg5[%dma_start3A_70, %dma_start3A_71, %dma_start3A_77] : memref<2x2x128xi32, #tpu.memory_space<vmem>> -> memref<1x1x128xi32, #tpu.memory_space<vmem>>
    %dma_start3A_79 = tpu.memref_squeeze %dma_start3A_78 : memref<1x1x128xi32, #tpu.memory_space<vmem>> -> memref<128xi32, #tpu.memory_space<vmem>>
    %dma_start3A_80 = arith.constant 0 : i32
    %dma_start3A_81 = arith.constant 0 : i32
    %dma_start3A_82 = tpu.memref_slice %arg2[%dma_start3A_80, %dma_start3A_81] : memref<512x128xf32, #tpu.memory_space<hbm>> -> memref<512x128xf32, #tpu.memory_space<hbm>>
    tpu.enqueue_indirect_dma source(%dma_start3A_82 : memref<512x128xf32, #tpu.memory_space<hbm>>) target(%dma_start3A_76 : memref<128x128xf32, #tpu.memory_space<vmem>>) offsets(%dma_start3A_79 : memref<128xi32, #tpu.memory_space<vmem>>) semaphore(%arg11 : memref<!tpu.dma_semaphore, #tpu.memory_space<semaphore_mem>>)
    %dma_start3A_83 = arith.constant 1 : i32
    %dma_start3A_84 = arith.constant 0 : i32
    %dma_start3A_85 = arith.constant 1 : i32
    %dma_start3A_86 = arith.constant 0 : i32
    %dma_start3A_87 = arith.constant 0 : i32
    %dma_start3A_88 = tpu.memref_slice %arg6[%dma_start3A_85, %dma_start3A_86, %dma_start3A_87] : memref<2x128x128xf32, #tpu.memory_space<vmem>> -> memref<1x128x128xf32, #tpu.memory_space<vmem>>
    %dma_start3A_89 = tpu.memref_squeeze %dma_start3A_88 : memref<1x128x128xf32, #tpu.memory_space<vmem>> -> memref<128x128xf32, #tpu.memory_space<vmem>>
    %dma_start3A_90 = arith.constant 0 : i32
    %dma_start3A_91 = tpu.memref_slice %arg5[%dma_start3A_83, %dma_start3A_84, %dma_start3A_90] : memref<2x2x128xi32, #tpu.memory_space<vmem>> -> memref<1x1x128xi32, #tpu.memory_space<vmem>>
    %dma_start3A_92 = tpu.memref_squeeze %dma_start3A_91 : memref<1x1x128xi32, #tpu.memory_space<vmem>> -> memref<128xi32, #tpu.memory_space<vmem>>
    %dma_start3A_93 = arith.constant 0 : i32
    %dma_start3A_94 = arith.constant 0 : i32
    %dma_start3A_95 = tpu.memref_slice %arg2[%dma_start3A_93, %dma_start3A_94] : memref<512x128xf32, #tpu.memory_space<hbm>> -> memref<512x128xf32, #tpu.memory_space<hbm>>
    tpu.enqueue_indirect_dma source(%dma_start3A_95 : memref<512x128xf32, #tpu.memory_space<hbm>>) target(%dma_start3A_89 : memref<128x128xf32, #tpu.memory_space<vmem>>) offsets(%dma_start3A_92 : memref<128xi32, #tpu.memory_space<vmem>>) semaphore(%arg12 : memref<!tpu.dma_semaphore, #tpu.memory_space<semaphore_mem>>)
    %dma_wait3A_96 = arith.constant 0 : i32
    %dma_wait3A_97 = tpu.memref_slice %arg8[%mul3A_2, %dma_wait3A_96] : memref<512x128xf32, #tpu.memory_space<vmem_shared>> -> memref<32x128xf32, #tpu.memory_space<vmem_shared>>
    %dma_wait3A_98 = arith.constant 0 : i32
    %dma_wait3A_99 = tpu.memref_slice %arg8[%mul3A_2, %dma_wait3A_98] : memref<512x128xf32, #tpu.memory_space<vmem_shared>> -> memref<32x128xf32, #tpu.memory_space<vmem_shared>>
    tpu.wait_dma2 semaphore(%arg9 : memref<!tpu.dma_semaphore, #tpu.memory_space<semaphore_mem>>) src(%arg7 : memref<32x128xf32, #tpu.memory_space<vmem>>) dst(%dma_wait3A_99 : memref<32x128xf32, #tpu.memory_space<vmem_shared>>)
    %barrier3A = arith.constant 0 : index
    tpu.barrier barrier_id(%barrier3A)
    %dma_wait3A_100 = arith.constant 0 : i32
    %dma_wait3A_101 = arith.constant 0 : i32
    %dma_wait3A_102 = arith.constant 0 : i32
    %dma_wait3A_103 = arith.constant 0 : i32
    %dma_wait3A_104 = arith.constant 0 : i32
    %dma_wait3A_105 = tpu.memref_slice %arg6[%dma_wait3A_102, %dma_wait3A_103, %dma_wait3A_104] : memref<2x128x128xf32, #tpu.memory_space<vmem>> -> memref<1x128x128xf32, #tpu.memory_space<vmem>>
    %dma_wait3A_106 = tpu.memref_squeeze %dma_wait3A_105 : memref<1x128x128xf32, #tpu.memory_space<vmem>> -> memref<128x128xf32, #tpu.memory_space<vmem>>
    %dma_wait3A_107 = arith.constant 0 : i32
    %dma_wait3A_108 = tpu.memref_slice %arg5[%dma_wait3A_100, %dma_wait3A_101, %dma_wait3A_107] : memref<2x2x128xi32, #tpu.memory_space<vmem>> -> memref<1x1x128xi32, #tpu.memory_space<vmem>>
    %dma_wait3A_109 = tpu.memref_squeeze %dma_wait3A_108 : memref<1x1x128xi32, #tpu.memory_space<vmem>> -> memref<128xi32, #tpu.memory_space<vmem>>
    %dma_wait3A_110 = arith.constant 0 : i32
    %dma_wait3A_111 = arith.constant 0 : i32
    %dma_wait3A_112 = tpu.memref_slice %arg2[%dma_wait3A_110, %dma_wait3A_111] : memref<512x128xf32, #tpu.memory_space<hbm>> -> memref<512x128xf32, #tpu.memory_space<hbm>>
    tpu.wait_indirect_dma semaphore(%arg11 : memref<!tpu.dma_semaphore, #tpu.memory_space<semaphore_mem>>) src(%dma_wait3A_112 : memref<512x128xf32, #tpu.memory_space<hbm>>) dst(%dma_wait3A_106 : memref<128x128xf32, #tpu.memory_space<vmem>>)
    %dma_start3A_113 = arith.constant 0 : i32
    %dma_start3A_114 = arith.constant 0 : i32
    %dma_start3A_115 = arith.constant 1 : i32
    %dma_start3A_116 = arith.constant 0 : i32
    %dma_start3A_117 = arith.constant 0 : i32
    %dma_start3A_118 = tpu.memref_slice %arg6[%dma_start3A_113, %dma_start3A_116, %dma_start3A_117] : memref<2x128x128xf32, #tpu.memory_space<vmem>> -> memref<1x128x128xf32, #tpu.memory_space<vmem>>
    %dma_start3A_119 = tpu.memref_squeeze %dma_start3A_118 : memref<1x128x128xf32, #tpu.memory_space<vmem>> -> memref<128x128xf32, #tpu.memory_space<vmem>>
    %dma_start3A_120 = arith.constant 0 : i32
    %dma_start3A_121 = tpu.memref_slice %arg5[%dma_start3A_114, %dma_start3A_115, %dma_start3A_120] : memref<2x2x128xi32, #tpu.memory_space<vmem>> -> memref<1x1x128xi32, #tpu.memory_space<vmem>>
    %dma_start3A_122 = tpu.memref_squeeze %dma_start3A_121 : memref<1x1x128xi32, #tpu.memory_space<vmem>> -> memref<128xi32, #tpu.memory_space<vmem>>
    %dma_start3A_123 = arith.constant 0 : i32
    %dma_start3A_124 = arith.constant 0 : i32
    %dma_start3A_125 = tpu.memref_slice %arg8[%dma_start3A_123, %dma_start3A_124] : memref<512x128xf32, #tpu.memory_space<vmem_shared>> -> memref<512x128xf32, #tpu.memory_space<vmem_shared>>
    tpu.enqueue_indirect_dma source(%dma_start3A_119 : memref<128x128xf32, #tpu.memory_space<vmem>>) target(%dma_start3A_125 : memref<512x128xf32, #tpu.memory_space<vmem_shared>>) offsets(%dma_start3A_122 : memref<128xi32, #tpu.memory_space<vmem>>) semaphore(%arg13 : memref<!tpu.dma_semaphore, #tpu.memory_space<semaphore_mem>>) {add = true}
    %dma_wait3A_126 = arith.constant 1 : i32
    %dma_wait3A_127 = arith.constant 0 : i32
    %dma_wait3A_128 = arith.constant 1 : i32
    %dma_wait3A_129 = arith.constant 0 : i32
    %dma_wait3A_130 = arith.constant 0 : i32
    %dma_wait3A_131 = tpu.memref_slice %arg6[%dma_wait3A_128, %dma_wait3A_129, %dma_wait3A_130] : memref<2x128x128xf32, #tpu.memory_space<vmem>> -> memref<1x128x128xf32, #tpu.memory_space<vmem>>
    %dma_wait3A_132 = tpu.memref_squeeze %dma_wait3A_131 : memref<1x128x128xf32, #tpu.memory_space<vmem>> -> memref<128x128xf32, #tpu.memory_space<vmem>>
    %dma_wait3A_133 = arith.constant 0 : i32
    %dma_wait3A_134 = tpu.memref_slice %arg5[%dma_wait3A_126, %dma_wait3A_127, %dma_wait3A_133] : memref<2x2x128xi32, #tpu.memory_space<vmem>> -> memref<1x1x128xi32, #tpu.memory_space<vmem>>
    %dma_wait3A_135 = tpu.memref_squeeze %dma_wait3A_134 : memref<1x1x128xi32, #tpu.memory_space<vmem>> -> memref<128xi32, #tpu.memory_space<vmem>>
    %dma_wait3A_136 = arith.constant 0 : i32
    %dma_wait3A_137 = arith.constant 0 : i32
    %dma_wait3A_138 = tpu.memref_slice %arg2[%dma_wait3A_136, %dma_wait3A_137] : memref<512x128xf32, #tpu.memory_space<hbm>> -> memref<512x128xf32, #tpu.memory_space<hbm>>
    tpu.wait_indirect_dma semaphore(%arg12 : memref<!tpu.dma_semaphore, #tpu.memory_space<semaphore_mem>>) src(%dma_wait3A_138 : memref<512x128xf32, #tpu.memory_space<hbm>>) dst(%dma_wait3A_132 : memref<128x128xf32, #tpu.memory_space<vmem>>)
    %dma_start3A_139 = arith.constant 1 : i32
    %dma_start3A_140 = arith.constant 1 : i32
    %dma_start3A_141 = arith.constant 1 : i32
    %dma_start3A_142 = arith.constant 0 : i32
    %dma_start3A_143 = arith.constant 0 : i32
    %dma_start3A_144 = tpu.memref_slice %arg6[%dma_start3A_139, %dma_start3A_142, %dma_start3A_143] : memref<2x128x128xf32, #tpu.memory_space<vmem>> -> memref<1x128x128xf32, #tpu.memory_space<vmem>>
    %dma_start3A_145 = tpu.memref_squeeze %dma_start3A_144 : memref<1x128x128xf32, #tpu.memory_space<vmem>> -> memref<128x128xf32, #tpu.memory_space<vmem>>
    %dma_start3A_146 = arith.constant 0 : i32
    %dma_start3A_147 = tpu.memref_slice %arg5[%dma_start3A_140, %dma_start3A_141, %dma_start3A_146] : memref<2x2x128xi32, #tpu.memory_space<vmem>> -> memref<1x1x128xi32, #tpu.memory_space<vmem>>
    %dma_start3A_148 = tpu.memref_squeeze %dma_start3A_147 : memref<1x1x128xi32, #tpu.memory_space<vmem>> -> memref<128xi32, #tpu.memory_space<vmem>>
    %dma_start3A_149 = arith.constant 0 : i32
    %dma_start3A_150 = arith.constant 0 : i32
    %dma_start3A_151 = tpu.memref_slice %arg8[%dma_start3A_149, %dma_start3A_150] : memref<512x128xf32, #tpu.memory_space<vmem_shared>> -> memref<512x128xf32, #tpu.memory_space<vmem_shared>>
    tpu.enqueue_indirect_dma source(%dma_start3A_145 : memref<128x128xf32, #tpu.memory_space<vmem>>) target(%dma_start3A_151 : memref<512x128xf32, #tpu.memory_space<vmem_shared>>) offsets(%dma_start3A_148 : memref<128xi32, #tpu.memory_space<vmem>>) semaphore(%arg13 : memref<!tpu.dma_semaphore, #tpu.memory_space<semaphore_mem>>) {add = true}
    %dma_wait3A_152 = arith.constant 0 : i32
    %dma_wait3A_153 = arith.constant 0 : i32
    %dma_wait3A_154 = arith.constant 1 : i32
    %dma_wait3A_155 = arith.constant 0 : i32
    %dma_wait3A_156 = arith.constant 0 : i32
    %dma_wait3A_157 = tpu.memref_slice %arg6[%dma_wait3A_152, %dma_wait3A_155, %dma_wait3A_156] : memref<2x128x128xf32, #tpu.memory_space<vmem>> -> memref<1x128x128xf32, #tpu.memory_space<vmem>>
    %dma_wait3A_158 = tpu.memref_squeeze %dma_wait3A_157 : memref<1x128x128xf32, #tpu.memory_space<vmem>> -> memref<128x128xf32, #tpu.memory_space<vmem>>
    %dma_wait3A_159 = arith.constant 0 : i32
    %dma_wait3A_160 = tpu.memref_slice %arg5[%dma_wait3A_153, %dma_wait3A_154, %dma_wait3A_159] : memref<2x2x128xi32, #tpu.memory_space<vmem>> -> memref<1x1x128xi32, #tpu.memory_space<vmem>>
    %dma_wait3A_161 = tpu.memref_squeeze %dma_wait3A_160 : memref<1x1x128xi32, #tpu.memory_space<vmem>> -> memref<128xi32, #tpu.memory_space<vmem>>
    %dma_wait3A_162 = arith.constant 0 : i32
    %dma_wait3A_163 = arith.constant 0 : i32
    %dma_wait3A_164 = tpu.memref_slice %arg8[%dma_wait3A_162, %dma_wait3A_163] : memref<512x128xf32, #tpu.memory_space<vmem_shared>> -> memref<512x128xf32, #tpu.memory_space<vmem_shared>>
    tpu.wait_indirect_dma semaphore(%arg13 : memref<!tpu.dma_semaphore, #tpu.memory_space<semaphore_mem>>) src(%dma_wait3A_158 : memref<128x128xf32, #tpu.memory_space<vmem>>) dst(%dma_wait3A_164 : memref<512x128xf32, #tpu.memory_space<vmem_shared>>)
    %dma_wait3A_165 = arith.constant 1 : i32
    %dma_wait3A_166 = arith.constant 1 : i32
    %dma_wait3A_167 = arith.constant 1 : i32
    %dma_wait3A_168 = arith.constant 0 : i32
    %dma_wait3A_169 = arith.constant 0 : i32
    %dma_wait3A_170 = tpu.memref_slice %arg6[%dma_wait3A_165, %dma_wait3A_168, %dma_wait3A_169] : memref<2x128x128xf32, #tpu.memory_space<vmem>> -> memref<1x128x128xf32, #tpu.memory_space<vmem>>
    %dma_wait3A_171 = tpu.memref_squeeze %dma_wait3A_170 : memref<1x128x128xf32, #tpu.memory_space<vmem>> -> memref<128x128xf32, #tpu.memory_space<vmem>>
    %dma_wait3A_172 = arith.constant 0 : i32
    %dma_wait3A_173 = tpu.memref_slice %arg5[%dma_wait3A_166, %dma_wait3A_167, %dma_wait3A_172] : memref<2x2x128xi32, #tpu.memory_space<vmem>> -> memref<1x1x128xi32, #tpu.memory_space<vmem>>
    %dma_wait3A_174 = tpu.memref_squeeze %dma_wait3A_173 : memref<1x1x128xi32, #tpu.memory_space<vmem>> -> memref<128xi32, #tpu.memory_space<vmem>>
    %dma_wait3A_175 = arith.constant 0 : i32
    %dma_wait3A_176 = arith.constant 0 : i32
    %dma_wait3A_177 = tpu.memref_slice %arg8[%dma_wait3A_175, %dma_wait3A_176] : memref<512x128xf32, #tpu.memory_space<vmem_shared>> -> memref<512x128xf32, #tpu.memory_space<vmem_shared>>
    tpu.wait_indirect_dma semaphore(%arg13 : memref<!tpu.dma_semaphore, #tpu.memory_space<semaphore_mem>>) src(%dma_wait3A_171 : memref<128x128xf32, #tpu.memory_space<vmem>>) dst(%dma_wait3A_177 : memref<512x128xf32, #tpu.memory_space<vmem_shared>>)
    %barrier3A_178 = arith.constant 0 : index
    tpu.barrier barrier_id(%barrier3A_178)
    %dma_start3A_179 = arith.constant 0 : i32
    %dma_start3A_180 = tpu.memref_slice %arg4[%arg0, %mul3A_2, %dma_start3A_179] : memref<2x512x128xf32, #tpu.memory_space<hbm>> -> memref<1x32x128xf32, #tpu.memory_space<hbm>>
    %dma_start3A_181 = tpu.memref_squeeze %dma_start3A_180 : memref<1x32x128xf32, #tpu.memory_space<hbm>> -> memref<32x128xf32, #tpu.memory_space<hbm>>
    %dma_start3A_182 = arith.constant 0 : i32
    %dma_start3A_183 = tpu.memref_slice %arg8[%mul3A_2, %dma_start3A_182] : memref<512x128xf32, #tpu.memory_space<vmem_shared>> -> memref<32x128xf32, #tpu.memory_space<vmem_shared>>
    tpu.enqueue_dma source(%dma_start3A_183 : memref<32x128xf32, #tpu.memory_space<vmem_shared>>) target(%dma_start3A_181 : memref<32x128xf32, #tpu.memory_space<hbm>>) target_semaphore(%arg14 : memref<!tpu.dma_semaphore, #tpu.memory_space<semaphore_mem>>)
    %dma_wait3A_184 = arith.constant 0 : i32
    %dma_wait3A_185 = tpu.memref_slice %arg4[%arg0, %mul3A_2, %dma_wait3A_184] : memref<2x512x128xf32, #tpu.memory_space<hbm>> -> memref<1x32x128xf32, #tpu.memory_space<hbm>>
    %dma_wait3A_186 = tpu.memref_squeeze %dma_wait3A_185 : memref<1x32x128xf32, #tpu.memory_space<hbm>> -> memref<32x128xf32, #tpu.memory_space<hbm>>
    %dma_wait3A_187 = arith.constant 0 : i32
    %dma_wait3A_188 = tpu.memref_slice %arg8[%mul3A_2, %dma_wait3A_187] : memref<512x128xf32, #tpu.memory_space<vmem_shared>> -> memref<32x128xf32, #tpu.memory_space<vmem_shared>>
    tpu.wait_dma2 semaphore(%arg14 : memref<!tpu.dma_semaphore, #tpu.memory_space<semaphore_mem>>) src(%dma_wait3A_188 : memref<32x128xf32, #tpu.memory_space<vmem_shared>>) dst(%dma_wait3A_186 : memref<32x128xf32, #tpu.memory_space<hbm>>)
    return
  }
}

#map = affine_map<(d0, d1) -> (0, 0)>
#map1 = affine_map<(d0, d1) -> (0, 0, 0)>
module attributes {stable_mosaic.version = 14 : i64} {
  func.func @sage_segment_sum_deg(%arg0: i32, %arg1: i32, %arg2: memref<512x128xf32, #tpu.memory_space<hbm>>, %arg3: memref<2x8192xi32, #tpu.memory_space<hbm>>, %arg4: memref<2x512x128xf32, #tpu.memory_space<hbm>>, %arg5: memref<2x512x128xf32, #tpu.memory_space<hbm>>, %arg6: memref<2x2x128xi32, #tpu.memory_space<vmem>>, %arg7: memref<2x128x128xf32, #tpu.memory_space<vmem>>, %arg8: memref<128x128xf32, #tpu.memory_space<vmem>>, %arg9: memref<32x128xf32, #tpu.memory_space<vmem>>, %arg10: memref<512x128xf32, #tpu.memory_space<vmem_shared>>, %arg11: memref<512x128xf32, #tpu.memory_space<vmem_shared>>, %arg12: memref<!tpu.dma_semaphore, #tpu.memory_space<semaphore_mem>>, %arg13: memref<!tpu.dma_semaphore, #tpu.memory_space<semaphore_mem>>, %arg14: memref<!tpu.dma_semaphore, #tpu.memory_space<semaphore_mem>>, %arg15: memref<!tpu.dma_semaphore, #tpu.memory_space<semaphore_mem>>, %arg16: memref<!tpu.dma_semaphore, #tpu.memory_space<semaphore_mem>>, %arg17: memref<!tpu.dma_semaphore, #tpu.memory_space<semaphore_mem>>) attributes {dimension_semantics = [#tpu.dimension_semantics<core_parallel>, #tpu.dimension_semantics<subcore_parallel>], iteration_bounds = array<i64: 2, 16>, scalar_prefetch = 0 : i64, scratch_operands = 12 : i64, tpu.core_type = #tpu.core_type<sc_vector_subcore>, window_params = [{transform_indices = #map}, {transform_indices = #map}, {transform_indices = #map1}, {transform_indices = #map1}]} {
    %mul3A = arith.constant 2 : i32
    %mul3A_0 = arith.muli %arg1, %mul3A : i32
    %add3A = arith.addi %mul3A_0, %arg0 : i32
    %mul3A_1 = arith.constant 32 : i32
    %mul3A_2 = arith.muli %arg1, %mul3A_1 : i32
    %mul3A_3 = arith.constant 256 : i32
    %mul3A_4 = arith.muli %add3A, %mul3A_3 : i32
    %add3A_5 = arith.constant 0 : i32
    %add3A_6 = arith.addi %mul3A_4, %add3A_5 : i32
    %dma_start3A = arith.constant 0 : i32
    %dma_start3A_7 = arith.constant 0 : i32
    %dma_start3A_8 = arith.constant 0 : i32
    %dma_start3A_9 = tpu.memref_slice %arg6[%dma_start3A, %dma_start3A_7, %dma_start3A_8] : memref<2x2x128xi32, #tpu.memory_space<vmem>> -> memref<1x2x128xi32, #tpu.memory_space<vmem>>
    %dma_start3A_10 = tpu.memref_squeeze %dma_start3A_9 : memref<1x2x128xi32, #tpu.memory_space<vmem>> -> memref<2x128xi32, #tpu.memory_space<vmem>>
    %dma_start3A_11 = arith.constant 0 : i32
    %dma_start3A_12 = tpu.memref_slice %arg3[%dma_start3A_11, %add3A_6] : memref<2x8192xi32, #tpu.memory_space<hbm>> -> memref<2x128xi32, #tpu.memory_space<hbm>>
    %dma_start3A_13 = arith.constant 0 : i32
    %dma_start3A_14 = arith.constant 0 : i32
    %dma_start3A_15 = tpu.memref_slice %arg6[%dma_start3A, %dma_start3A_13, %dma_start3A_14] : memref<2x2x128xi32, #tpu.memory_space<vmem>> -> memref<1x2x128xi32, #tpu.memory_space<vmem>>
    %dma_start3A_16 = tpu.memref_squeeze %dma_start3A_15 : memref<1x2x128xi32, #tpu.memory_space<vmem>> -> memref<2x128xi32, #tpu.memory_space<vmem>>
    %dma_start3A_17 = arith.constant 0 : i32
    %dma_start3A_18 = tpu.memref_slice %arg3[%dma_start3A_17, %add3A_6] : memref<2x8192xi32, #tpu.memory_space<hbm>> -> memref<2x128xi32, #tpu.memory_space<hbm>>
    tpu.enqueue_dma source(%dma_start3A_18 : memref<2x128xi32, #tpu.memory_space<hbm>>) target(%dma_start3A_16 : memref<2x128xi32, #tpu.memory_space<vmem>>) target_semaphore(%arg13 : memref<!tpu.dma_semaphore, #tpu.memory_space<semaphore_mem>>)
    %add3A_19 = arith.constant 128 : i32
    %add3A_20 = arith.addi %mul3A_4, %add3A_19 : i32
    %dma_start3A_21 = arith.constant 1 : i32
    %dma_start3A_22 = arith.constant 0 : i32
    %dma_start3A_23 = arith.constant 0 : i32
    %dma_start3A_24 = tpu.memref_slice %arg6[%dma_start3A_21, %dma_start3A_22, %dma_start3A_23] : memref<2x2x128xi32, #tpu.memory_space<vmem>> -> memref<1x2x128xi32, #tpu.memory_space<vmem>>
    %dma_start3A_25 = tpu.memref_squeeze %dma_start3A_24 : memref<1x2x128xi32, #tpu.memory_space<vmem>> -> memref<2x128xi32, #tpu.memory_space<vmem>>
    %dma_start3A_26 = arith.constant 0 : i32
    %dma_start3A_27 = tpu.memref_slice %arg3[%dma_start3A_26, %add3A_20] : memref<2x8192xi32, #tpu.memory_space<hbm>> -> memref<2x128xi32, #tpu.memory_space<hbm>>
    %dma_start3A_28 = arith.constant 0 : i32
    %dma_start3A_29 = arith.constant 0 : i32
    %dma_start3A_30 = tpu.memref_slice %arg6[%dma_start3A_21, %dma_start3A_28, %dma_start3A_29] : memref<2x2x128xi32, #tpu.memory_space<vmem>> -> memref<1x2x128xi32, #tpu.memory_space<vmem>>
    %dma_start3A_31 = tpu.memref_squeeze %dma_start3A_30 : memref<1x2x128xi32, #tpu.memory_space<vmem>> -> memref<2x128xi32, #tpu.memory_space<vmem>>
    %dma_start3A_32 = arith.constant 0 : i32
    %dma_start3A_33 = tpu.memref_slice %arg3[%dma_start3A_32, %add3A_20] : memref<2x8192xi32, #tpu.memory_space<hbm>> -> memref<2x128xi32, #tpu.memory_space<hbm>>
    tpu.enqueue_dma source(%dma_start3A_33 : memref<2x128xi32, #tpu.memory_space<hbm>>) target(%dma_start3A_31 : memref<2x128xi32, #tpu.memory_space<vmem>>) target_semaphore(%arg13 : memref<!tpu.dma_semaphore, #tpu.memory_space<semaphore_mem>>)
    %broadcast_in_dim3A = arith.constant 0.000000e+00 : f32
    %broadcast_in_dim3A_34 = vector.broadcast %broadcast_in_dim3A : f32 to vector<16xf32>
    %scan3A = arith.constant 0 : i32
    %scan3A_35 = arith.constant 0 : i32
    %scan3A_36 = arith.constant 32 : i32
    %scan3A_37 = arith.addi %scan3A_35, %scan3A_36 : i32
    %scan3A_38 = arith.constant 1 : i32
    %scan3A_39 = scf.for %scan3A_248 = %scan3A_35 to %scan3A_37 step %scan3A_38 iter_args(%scan3A_249 = %scan3A) -> (i32)  : i32 {
      %swap3A = arith.index_cast %scan3A_248 : i32 to index
      %swap3A_250 = arith.constant 0 : index
      %swap3A_251 = tpu.vector_load %arg9[%swap3A, %swap3A_250] {strides = array<i32>} : memref<32x128xf32, #tpu.memory_space<vmem>>, vector<1x16xf32>,
      %swap3A_252 = vector.shape_cast %swap3A_251 : vector<1x16xf32> to vector<16xf32>
      %swap3A_253 = vector.shape_cast %broadcast_in_dim3A_34 : vector<16xf32> to vector<1x16xf32>
      tpu.vector_store %arg9[%swap3A, %swap3A_250], %swap3A_253 {strides = array<i32>} : memref<32x128xf32, #tpu.memory_space<vmem>>, vector<1x16xf32>,
      %swap3A_254 = arith.index_cast %scan3A_248 : i32 to index
      %swap3A_255 = arith.constant 16 : index
      %swap3A_256 = tpu.vector_load %arg9[%swap3A_254, %swap3A_255] {strides = array<i32>} : memref<32x128xf32, #tpu.memory_space<vmem>>, vector<1x16xf32>,
      %swap3A_257 = vector.shape_cast %swap3A_256 : vector<1x16xf32> to vector<16xf32>
      %swap3A_258 = vector.shape_cast %broadcast_in_dim3A_34 : vector<16xf32> to vector<1x16xf32>
      tpu.vector_store %arg9[%swap3A_254, %swap3A_255], %swap3A_258 {strides = array<i32>} : memref<32x128xf32, #tpu.memory_space<vmem>>, vector<1x16xf32>,
      %swap3A_259 = arith.index_cast %scan3A_248 : i32 to index
      %swap3A_260 = arith.constant 32 : index
      %swap3A_261 = tpu.vector_load %arg9[%swap3A_259, %swap3A_260] {strides = array<i32>} : memref<32x128xf32, #tpu.memory_space<vmem>>, vector<1x16xf32>,
      %swap3A_262 = vector.shape_cast %swap3A_261 : vector<1x16xf32> to vector<16xf32>
      %swap3A_263 = vector.shape_cast %broadcast_in_dim3A_34 : vector<16xf32> to vector<1x16xf32>
      tpu.vector_store %arg9[%swap3A_259, %swap3A_260], %swap3A_263 {strides = array<i32>} : memref<32x128xf32, #tpu.memory_space<vmem>>, vector<1x16xf32>,
      %swap3A_264 = arith.index_cast %scan3A_248 : i32 to index
      %swap3A_265 = arith.constant 48 : index
      %swap3A_266 = tpu.vector_load %arg9[%swap3A_264, %swap3A_265] {strides = array<i32>} : memref<32x128xf32, #tpu.memory_space<vmem>>, vector<1x16xf32>,
      %swap3A_267 = vector.shape_cast %swap3A_266 : vector<1x16xf32> to vector<16xf32>
      %swap3A_268 = vector.shape_cast %broadcast_in_dim3A_34 : vector<16xf32> to vector<1x16xf32>
      tpu.vector_store %arg9[%swap3A_264, %swap3A_265], %swap3A_268 {strides = array<i32>} : memref<32x128xf32, #tpu.memory_space<vmem>>, vector<1x16xf32>,
      %swap3A_269 = arith.index_cast %scan3A_248 : i32 to index
      %swap3A_270 = arith.constant 64 : index
      %swap3A_271 = tpu.vector_load %arg9[%swap3A_269, %swap3A_270] {strides = array<i32>} : memref<32x128xf32, #tpu.memory_space<vmem>>, vector<1x16xf32>,
      %swap3A_272 = vector.shape_cast %swap3A_271 : vector<1x16xf32> to vector<16xf32>
      %swap3A_273 = vector.shape_cast %broadcast_in_dim3A_34 : vector<16xf32> to vector<1x16xf32>
      tpu.vector_store %arg9[%swap3A_269, %swap3A_270], %swap3A_273 {strides = array<i32>} : memref<32x128xf32, #tpu.memory_space<vmem>>, vector<1x16xf32>,
      %swap3A_274 = arith.index_cast %scan3A_248 : i32 to index
      %swap3A_275 = arith.constant 80 : index
      %swap3A_276 = tpu.vector_load %arg9[%swap3A_274, %swap3A_275] {strides = array<i32>} : memref<32x128xf32, #tpu.memory_space<vmem>>, vector<1x16xf32>,
      %swap3A_277 = vector.shape_cast %swap3A_276 : vector<1x16xf32> to vector<16xf32>
      %swap3A_278 = vector.shape_cast %broadcast_in_dim3A_34 : vector<16xf32> to vector<1x16xf32>
      tpu.vector_store %arg9[%swap3A_274, %swap3A_275], %swap3A_278 {strides = array<i32>} : memref<32x128xf32, #tpu.memory_space<vmem>>, vector<1x16xf32>,
      %swap3A_279 = arith.index_cast %scan3A_248 : i32 to index
      %swap3A_280 = arith.constant 96 : index
      %swap3A_281 = tpu.vector_load %arg9[%swap3A_279, %swap3A_280] {strides = array<i32>} : memref<32x128xf32, #tpu.memory_space<vmem>>, vector<1x16xf32>,
      %swap3A_282 = vector.shape_cast %swap3A_281 : vector<1x16xf32> to vector<16xf32>
      %swap3A_283 = vector.shape_cast %broadcast_in_dim3A_34 : vector<16xf32> to vector<1x16xf32>
      tpu.vector_store %arg9[%swap3A_279, %swap3A_280], %swap3A_283 {strides = array<i32>} : memref<32x128xf32, #tpu.memory_space<vmem>>, vector<1x16xf32>,
      %swap3A_284 = arith.index_cast %scan3A_248 : i32 to index
      %swap3A_285 = arith.constant 112 : index
      %swap3A_286 = tpu.vector_load %arg9[%swap3A_284, %swap3A_285] {strides = array<i32>} : memref<32x128xf32, #tpu.memory_space<vmem>>, vector<1x16xf32>,
      %swap3A_287 = vector.shape_cast %swap3A_286 : vector<1x16xf32> to vector<16xf32>
      %swap3A_288 = vector.shape_cast %broadcast_in_dim3A_34 : vector<16xf32> to vector<1x16xf32>
      tpu.vector_store %arg9[%swap3A_284, %swap3A_285], %swap3A_288 {strides = array<i32>} : memref<32x128xf32, #tpu.memory_space<vmem>>, vector<1x16xf32>,
      %scan3A_289 = arith.constant 0 : i32
      scf.yield %scan3A_289 : i32
    }
    %scan3A_40 = arith.constant 32 : i32
    %dma_start3A_41 = arith.constant 0 : i32
    %dma_start3A_42 = tpu.memref_slice %arg10[%mul3A_2, %dma_start3A_41] : memref<512x128xf32, #tpu.memory_space<vmem_shared>> -> memref<32x128xf32, #tpu.memory_space<vmem_shared>>
    %dma_start3A_43 = arith.constant 0 : i32
    %dma_start3A_44 = tpu.memref_slice %arg10[%mul3A_2, %dma_start3A_43] : memref<512x128xf32, #tpu.memory_space<vmem_shared>> -> memref<32x128xf32, #tpu.memory_space<vmem_shared>>
    tpu.enqueue_dma source(%arg9 : memref<32x128xf32, #tpu.memory_space<vmem>>) target(%dma_start3A_44 : memref<32x128xf32, #tpu.memory_space<vmem_shared>>) target_semaphore(%arg12 : memref<!tpu.dma_semaphore, #tpu.memory_space<semaphore_mem>>)
    %dma_start3A_45 = arith.constant 0 : i32
    %dma_start3A_46 = tpu.memref_slice %arg11[%mul3A_2, %dma_start3A_45] : memref<512x128xf32, #tpu.memory_space<vmem_shared>> -> memref<32x128xf32, #tpu.memory_space<vmem_shared>>
    %dma_start3A_47 = arith.constant 0 : i32
    %dma_start3A_48 = tpu.memref_slice %arg11[%mul3A_2, %dma_start3A_47] : memref<512x128xf32, #tpu.memory_space<vmem_shared>> -> memref<32x128xf32, #tpu.memory_space<vmem_shared>>
    tpu.enqueue_dma source(%arg9 : memref<32x128xf32, #tpu.memory_space<vmem>>) target(%dma_start3A_48 : memref<32x128xf32, #tpu.memory_space<vmem_shared>>) target_semaphore(%arg12 : memref<!tpu.dma_semaphore, #tpu.memory_space<semaphore_mem>>)
    %dma_wait3A = arith.constant 0 : i32
    %dma_wait3A_49 = arith.constant 0 : i32
    %dma_wait3A_50 = arith.constant 0 : i32
    %dma_wait3A_51 = tpu.memref_slice %arg6[%dma_wait3A, %dma_wait3A_49, %dma_wait3A_50] : memref<2x2x128xi32, #tpu.memory_space<vmem>> -> memref<1x2x128xi32, #tpu.memory_space<vmem>>
    %dma_wait3A_52 = tpu.memref_squeeze %dma_wait3A_51 : memref<1x2x128xi32, #tpu.memory_space<vmem>> -> memref<2x128xi32, #tpu.memory_space<vmem>>
    %dma_wait3A_53 = arith.constant 0 : i32
    %dma_wait3A_54 = tpu.memref_slice %arg3[%dma_wait3A_53, %add3A_6] : memref<2x8192xi32, #tpu.memory_space<hbm>> -> memref<2x128xi32, #tpu.memory_space<hbm>>
    %dma_wait3A_55 = arith.constant 0 : i32
    %dma_wait3A_56 = arith.constant 0 : i32
    %dma_wait3A_57 = tpu.memref_slice %arg6[%dma_wait3A, %dma_wait3A_55, %dma_wait3A_56] : memref<2x2x128xi32, #tpu.memory_space<vmem>> -> memref<1x2x128xi32, #tpu.memory_space<vmem>>
    %dma_wait3A_58 = tpu.memref_squeeze %dma_wait3A_57 : memref<1x2x128xi32, #tpu.memory_space<vmem>> -> memref<2x128xi32, #tpu.memory_space<vmem>>
    %dma_wait3A_59 = arith.constant 0 : i32
    %dma_wait3A_60 = tpu.memref_slice %arg3[%dma_wait3A_59, %add3A_6] : memref<2x8192xi32, #tpu.memory_space<hbm>> -> memref<2x128xi32, #tpu.memory_space<hbm>>
    tpu.wait_dma2 semaphore(%arg13 : memref<!tpu.dma_semaphore, #tpu.memory_space<semaphore_mem>>) src(%dma_wait3A_60 : memref<2x128xi32, #tpu.memory_space<hbm>>) dst(%dma_wait3A_58 : memref<2x128xi32, #tpu.memory_space<vmem>>)
    %dma_wait3A_61 = arith.constant 1 : i32
    %dma_wait3A_62 = arith.constant 0 : i32
    %dma_wait3A_63 = arith.constant 0 : i32
    %dma_wait3A_64 = tpu.memref_slice %arg6[%dma_wait3A_61, %dma_wait3A_62, %dma_wait3A_63] : memref<2x2x128xi32, #tpu.memory_space<vmem>> -> memref<1x2x128xi32, #tpu.memory_space<vmem>>
    %dma_wait3A_65 = tpu.memref_squeeze %dma_wait3A_64 : memref<1x2x128xi32, #tpu.memory_space<vmem>> -> memref<2x128xi32, #tpu.memory_space<vmem>>
    %dma_wait3A_66 = arith.constant 0 : i32
    %dma_wait3A_67 = tpu.memref_slice %arg3[%dma_wait3A_66, %add3A_20] : memref<2x8192xi32, #tpu.memory_space<hbm>> -> memref<2x128xi32, #tpu.memory_space<hbm>>
    %dma_wait3A_68 = arith.constant 0 : i32
    %dma_wait3A_69 = arith.constant 0 : i32
    %dma_wait3A_70 = tpu.memref_slice %arg6[%dma_wait3A_61, %dma_wait3A_68, %dma_wait3A_69] : memref<2x2x128xi32, #tpu.memory_space<vmem>> -> memref<1x2x128xi32, #tpu.memory_space<vmem>>
    %dma_wait3A_71 = tpu.memref_squeeze %dma_wait3A_70 : memref<1x2x128xi32, #tpu.memory_space<vmem>> -> memref<2x128xi32, #tpu.memory_space<vmem>>
    %dma_wait3A_72 = arith.constant 0 : i32
    %dma_wait3A_73 = tpu.memref_slice %arg3[%dma_wait3A_72, %add3A_20] : memref<2x8192xi32, #tpu.memory_space<hbm>> -> memref<2x128xi32, #tpu.memory_space<hbm>>
    tpu.wait_dma2 semaphore(%arg13 : memref<!tpu.dma_semaphore, #tpu.memory_space<semaphore_mem>>) src(%dma_wait3A_73 : memref<2x128xi32, #tpu.memory_space<hbm>>) dst(%dma_wait3A_71 : memref<2x128xi32, #tpu.memory_space<vmem>>)
    %dma_start3A_74 = arith.constant 0 : i32
    %dma_start3A_75 = arith.constant 0 : i32
    %dma_start3A_76 = arith.constant 0 : i32
    %dma_start3A_77 = arith.constant 0 : i32
    %dma_start3A_78 = arith.constant 0 : i32
    %dma_start3A_79 = tpu.memref_slice %arg7[%dma_start3A_76, %dma_start3A_77, %dma_start3A_78] : memref<2x128x128xf32, #tpu.memory_space<vmem>> -> memref<1x128x128xf32, #tpu.memory_space<vmem>>
    %dma_start3A_80 = tpu.memref_squeeze %dma_start3A_79 : memref<1x128x128xf32, #tpu.memory_space<vmem>> -> memref<128x128xf32, #tpu.memory_space<vmem>>
    %dma_start3A_81 = arith.constant 0 : i32
    %dma_start3A_82 = tpu.memref_slice %arg6[%dma_start3A_74, %dma_start3A_75, %dma_start3A_81] : memref<2x2x128xi32, #tpu.memory_space<vmem>> -> memref<1x1x128xi32, #tpu.memory_space<vmem>>
    %dma_start3A_83 = tpu.memref_squeeze %dma_start3A_82 : memref<1x1x128xi32, #tpu.memory_space<vmem>> -> memref<128xi32, #tpu.memory_space<vmem>>
    %dma_start3A_84 = arith.constant 0 : i32
    %dma_start3A_85 = arith.constant 0 : i32
    %dma_start3A_86 = tpu.memref_slice %arg2[%dma_start3A_84, %dma_start3A_85] : memref<512x128xf32, #tpu.memory_space<hbm>> -> memref<512x128xf32, #tpu.memory_space<hbm>>
    tpu.enqueue_indirect_dma source(%dma_start3A_86 : memref<512x128xf32, #tpu.memory_space<hbm>>) target(%dma_start3A_80 : memref<128x128xf32, #tpu.memory_space<vmem>>) offsets(%dma_start3A_83 : memref<128xi32, #tpu.memory_space<vmem>>) semaphore(%arg14 : memref<!tpu.dma_semaphore, #tpu.memory_space<semaphore_mem>>)
    %dma_start3A_87 = arith.constant 1 : i32
    %dma_start3A_88 = arith.constant 0 : i32
    %dma_start3A_89 = arith.constant 1 : i32
    %dma_start3A_90 = arith.constant 0 : i32
    %dma_start3A_91 = arith.constant 0 : i32
    %dma_start3A_92 = tpu.memref_slice %arg7[%dma_start3A_89, %dma_start3A_90, %dma_start3A_91] : memref<2x128x128xf32, #tpu.memory_space<vmem>> -> memref<1x128x128xf32, #tpu.memory_space<vmem>>
    %dma_start3A_93 = tpu.memref_squeeze %dma_start3A_92 : memref<1x128x128xf32, #tpu.memory_space<vmem>> -> memref<128x128xf32, #tpu.memory_space<vmem>>
    %dma_start3A_94 = arith.constant 0 : i32
    %dma_start3A_95 = tpu.memref_slice %arg6[%dma_start3A_87, %dma_start3A_88, %dma_start3A_94] : memref<2x2x128xi32, #tpu.memory_space<vmem>> -> memref<1x1x128xi32, #tpu.memory_space<vmem>>
    %dma_start3A_96 = tpu.memref_squeeze %dma_start3A_95 : memref<1x1x128xi32, #tpu.memory_space<vmem>> -> memref<128xi32, #tpu.memory_space<vmem>>
    %dma_start3A_97 = arith.constant 0 : i32
    %dma_start3A_98 = arith.constant 0 : i32
    %dma_start3A_99 = tpu.memref_slice %arg2[%dma_start3A_97, %dma_start3A_98] : memref<512x128xf32, #tpu.memory_space<hbm>> -> memref<512x128xf32, #tpu.memory_space<hbm>>
    tpu.enqueue_indirect_dma source(%dma_start3A_99 : memref<512x128xf32, #tpu.memory_space<hbm>>) target(%dma_start3A_93 : memref<128x128xf32, #tpu.memory_space<vmem>>) offsets(%dma_start3A_96 : memref<128xi32, #tpu.memory_space<vmem>>) semaphore(%arg15 : memref<!tpu.dma_semaphore, #tpu.memory_space<semaphore_mem>>)
    %broadcast_in_dim3A_100 = arith.constant 1.000000e+00 : f32
    %broadcast_in_dim3A_101 = vector.broadcast %broadcast_in_dim3A_100 : f32 to vector<16xf32>
    %scan3A_102 = arith.constant 0 : i32
    %scan3A_103 = arith.constant 0 : i32
    %scan3A_104 = arith.constant 128 : i32
    %scan3A_105 = arith.addi %scan3A_103, %scan3A_104 : i32
    %scan3A_106 = arith.constant 1 : i32
    %scan3A_107 = scf.for %scan3A_248 = %scan3A_103 to %scan3A_105 step %scan3A_106 iter_args(%scan3A_249 = %scan3A_102) -> (i32)  : i32 {
      %swap3A = arith.index_cast %scan3A_248 : i32 to index
      %swap3A_250 = arith.constant 0 : index
      %swap3A_251 = tpu.vector_load %arg8[%swap3A, %swap3A_250] {strides = array<i32>} : memref<128x128xf32, #tpu.memory_space<vmem>>, vector<1x16xf32>,
      %swap3A_252 = vector.shape_cast %swap3A_251 : vector<1x16xf32> to vector<16xf32>
      %swap3A_253 = vector.shape_cast %broadcast_in_dim3A_101 : vector<16xf32> to vector<1x16xf32>
      tpu.vector_store %arg8[%swap3A, %swap3A_250], %swap3A_253 {strides = array<i32>} : memref<128x128xf32, #tpu.memory_space<vmem>>, vector<1x16xf32>,
      %swap3A_254 = arith.index_cast %scan3A_248 : i32 to index
      %swap3A_255 = arith.constant 16 : index
      %swap3A_256 = tpu.vector_load %arg8[%swap3A_254, %swap3A_255] {strides = array<i32>} : memref<128x128xf32, #tpu.memory_space<vmem>>, vector<1x16xf32>,
      %swap3A_257 = vector.shape_cast %swap3A_256 : vector<1x16xf32> to vector<16xf32>
      %swap3A_258 = vector.shape_cast %broadcast_in_dim3A_101 : vector<16xf32> to vector<1x16xf32>
      tpu.vector_store %arg8[%swap3A_254, %swap3A_255], %swap3A_258 {strides = array<i32>} : memref<128x128xf32, #tpu.memory_space<vmem>>, vector<1x16xf32>,
      %swap3A_259 = arith.index_cast %scan3A_248 : i32 to index
      %swap3A_260 = arith.constant 32 : index
      %swap3A_261 = tpu.vector_load %arg8[%swap3A_259, %swap3A_260] {strides = array<i32>} : memref<128x128xf32, #tpu.memory_space<vmem>>, vector<1x16xf32>,
      %swap3A_262 = vector.shape_cast %swap3A_261 : vector<1x16xf32> to vector<16xf32>
      %swap3A_263 = vector.shape_cast %broadcast_in_dim3A_101 : vector<16xf32> to vector<1x16xf32>
      tpu.vector_store %arg8[%swap3A_259, %swap3A_260], %swap3A_263 {strides = array<i32>} : memref<128x128xf32, #tpu.memory_space<vmem>>, vector<1x16xf32>,
      %swap3A_264 = arith.index_cast %scan3A_248 : i32 to index
      %swap3A_265 = arith.constant 48 : index
      %swap3A_266 = tpu.vector_load %arg8[%swap3A_264, %swap3A_265] {strides = array<i32>} : memref<128x128xf32, #tpu.memory_space<vmem>>, vector<1x16xf32>,
      %swap3A_267 = vector.shape_cast %swap3A_266 : vector<1x16xf32> to vector<16xf32>
      %swap3A_268 = vector.shape_cast %broadcast_in_dim3A_101 : vector<16xf32> to vector<1x16xf32>
      tpu.vector_store %arg8[%swap3A_264, %swap3A_265], %swap3A_268 {strides = array<i32>} : memref<128x128xf32, #tpu.memory_space<vmem>>, vector<1x16xf32>,
      %swap3A_269 = arith.index_cast %scan3A_248 : i32 to index
      %swap3A_270 = arith.constant 64 : index
      %swap3A_271 = tpu.vector_load %arg8[%swap3A_269, %swap3A_270] {strides = array<i32>} : memref<128x128xf32, #tpu.memory_space<vmem>>, vector<1x16xf32>,
      %swap3A_272 = vector.shape_cast %swap3A_271 : vector<1x16xf32> to vector<16xf32>
      %swap3A_273 = vector.shape_cast %broadcast_in_dim3A_101 : vector<16xf32> to vector<1x16xf32>
      tpu.vector_store %arg8[%swap3A_269, %swap3A_270], %swap3A_273 {strides = array<i32>} : memref<128x128xf32, #tpu.memory_space<vmem>>, vector<1x16xf32>,
      %swap3A_274 = arith.index_cast %scan3A_248 : i32 to index
      %swap3A_275 = arith.constant 80 : index
      %swap3A_276 = tpu.vector_load %arg8[%swap3A_274, %swap3A_275] {strides = array<i32>} : memref<128x128xf32, #tpu.memory_space<vmem>>, vector<1x16xf32>,
      %swap3A_277 = vector.shape_cast %swap3A_276 : vector<1x16xf32> to vector<16xf32>
      %swap3A_278 = vector.shape_cast %broadcast_in_dim3A_101 : vector<16xf32> to vector<1x16xf32>
      tpu.vector_store %arg8[%swap3A_274, %swap3A_275], %swap3A_278 {strides = array<i32>} : memref<128x128xf32, #tpu.memory_space<vmem>>, vector<1x16xf32>,
      %swap3A_279 = arith.index_cast %scan3A_248 : i32 to index
      %swap3A_280 = arith.constant 96 : index
      %swap3A_281 = tpu.vector_load %arg8[%swap3A_279, %swap3A_280] {strides = array<i32>} : memref<128x128xf32, #tpu.memory_space<vmem>>, vector<1x16xf32>,
      %swap3A_282 = vector.shape_cast %swap3A_281 : vector<1x16xf32> to vector<16xf32>
      %swap3A_283 = vector.shape_cast %broadcast_in_dim3A_101 : vector<16xf32> to vector<1x16xf32>
      tpu.vector_store %arg8[%swap3A_279, %swap3A_280], %swap3A_283 {strides = array<i32>} : memref<128x128xf32, #tpu.memory_space<vmem>>, vector<1x16xf32>,
      %swap3A_284 = arith.index_cast %scan3A_248 : i32 to index
      %swap3A_285 = arith.constant 112 : index
      %swap3A_286 = tpu.vector_load %arg8[%swap3A_284, %swap3A_285] {strides = array<i32>} : memref<128x128xf32, #tpu.memory_space<vmem>>, vector<1x16xf32>,
      %swap3A_287 = vector.shape_cast %swap3A_286 : vector<1x16xf32> to vector<16xf32>
      %swap3A_288 = vector.shape_cast %broadcast_in_dim3A_101 : vector<16xf32> to vector<1x16xf32>
      tpu.vector_store %arg8[%swap3A_284, %swap3A_285], %swap3A_288 {strides = array<i32>} : memref<128x128xf32, #tpu.memory_space<vmem>>, vector<1x16xf32>,
      %scan3A_289 = arith.constant 0 : i32
      scf.yield %scan3A_289 : i32
    }
    %scan3A_108 = arith.constant 128 : i32
    %dma_wait3A_109 = arith.constant 0 : i32
    %dma_wait3A_110 = tpu.memref_slice %arg10[%mul3A_2, %dma_wait3A_109] : memref<512x128xf32, #tpu.memory_space<vmem_shared>> -> memref<32x128xf32, #tpu.memory_space<vmem_shared>>
    %dma_wait3A_111 = arith.constant 0 : i32
    %dma_wait3A_112 = tpu.memref_slice %arg10[%mul3A_2, %dma_wait3A_111] : memref<512x128xf32, #tpu.memory_space<vmem_shared>> -> memref<32x128xf32, #tpu.memory_space<vmem_shared>>
    tpu.wait_dma2 semaphore(%arg12 : memref<!tpu.dma_semaphore, #tpu.memory_space<semaphore_mem>>) src(%arg9 : memref<32x128xf32, #tpu.memory_space<vmem>>) dst(%dma_wait3A_112 : memref<32x128xf32, #tpu.memory_space<vmem_shared>>)
    %dma_wait3A_113 = arith.constant 0 : i32
    %dma_wait3A_114 = tpu.memref_slice %arg11[%mul3A_2, %dma_wait3A_113] : memref<512x128xf32, #tpu.memory_space<vmem_shared>> -> memref<32x128xf32, #tpu.memory_space<vmem_shared>>
    %dma_wait3A_115 = arith.constant 0 : i32
    %dma_wait3A_116 = tpu.memref_slice %arg11[%mul3A_2, %dma_wait3A_115] : memref<512x128xf32, #tpu.memory_space<vmem_shared>> -> memref<32x128xf32, #tpu.memory_space<vmem_shared>>
    tpu.wait_dma2 semaphore(%arg12 : memref<!tpu.dma_semaphore, #tpu.memory_space<semaphore_mem>>) src(%arg9 : memref<32x128xf32, #tpu.memory_space<vmem>>) dst(%dma_wait3A_116 : memref<32x128xf32, #tpu.memory_space<vmem_shared>>)
    %barrier3A = arith.constant 0 : index
    tpu.barrier barrier_id(%barrier3A)
    %dma_wait3A_117 = arith.constant 0 : i32
    %dma_wait3A_118 = arith.constant 0 : i32
    %dma_wait3A_119 = arith.constant 0 : i32
    %dma_wait3A_120 = arith.constant 0 : i32
    %dma_wait3A_121 = arith.constant 0 : i32
    %dma_wait3A_122 = tpu.memref_slice %arg7[%dma_wait3A_119, %dma_wait3A_120, %dma_wait3A_121] : memref<2x128x128xf32, #tpu.memory_space<vmem>> -> memref<1x128x128xf32, #tpu.memory_space<vmem>>
    %dma_wait3A_123 = tpu.memref_squeeze %dma_wait3A_122 : memref<1x128x128xf32, #tpu.memory_space<vmem>> -> memref<128x128xf32, #tpu.memory_space<vmem>>
    %dma_wait3A_124 = arith.constant 0 : i32
    %dma_wait3A_125 = tpu.memref_slice %arg6[%dma_wait3A_117, %dma_wait3A_118, %dma_wait3A_124] : memref<2x2x128xi32, #tpu.memory_space<vmem>> -> memref<1x1x128xi32, #tpu.memory_space<vmem>>
    %dma_wait3A_126 = tpu.memref_squeeze %dma_wait3A_125 : memref<1x1x128xi32, #tpu.memory_space<vmem>> -> memref<128xi32, #tpu.memory_space<vmem>>
    %dma_wait3A_127 = arith.constant 0 : i32
    %dma_wait3A_128 = arith.constant 0 : i32
    %dma_wait3A_129 = tpu.memref_slice %arg2[%dma_wait3A_127, %dma_wait3A_128] : memref<512x128xf32, #tpu.memory_space<hbm>> -> memref<512x128xf32, #tpu.memory_space<hbm>>
    tpu.wait_indirect_dma semaphore(%arg14 : memref<!tpu.dma_semaphore, #tpu.memory_space<semaphore_mem>>) src(%dma_wait3A_129 : memref<512x128xf32, #tpu.memory_space<hbm>>) dst(%dma_wait3A_123 : memref<128x128xf32, #tpu.memory_space<vmem>>)
    %dma_start3A_130 = arith.constant 0 : i32
    %dma_start3A_131 = arith.constant 0 : i32
    %dma_start3A_132 = arith.constant 1 : i32
    %dma_start3A_133 = arith.constant 0 : i32
    %dma_start3A_134 = arith.constant 0 : i32
    %dma_start3A_135 = tpu.memref_slice %arg7[%dma_start3A_130, %dma_start3A_133, %dma_start3A_134] : memref<2x128x128xf32, #tpu.memory_space<vmem>> -> memref<1x128x128xf32, #tpu.memory_space<vmem>>
    %dma_start3A_136 = tpu.memref_squeeze %dma_start3A_135 : memref<1x128x128xf32, #tpu.memory_space<vmem>> -> memref<128x128xf32, #tpu.memory_space<vmem>>
    %dma_start3A_137 = arith.constant 0 : i32
    %dma_start3A_138 = tpu.memref_slice %arg6[%dma_start3A_131, %dma_start3A_132, %dma_start3A_137] : memref<2x2x128xi32, #tpu.memory_space<vmem>> -> memref<1x1x128xi32, #tpu.memory_space<vmem>>
    %dma_start3A_139 = tpu.memref_squeeze %dma_start3A_138 : memref<1x1x128xi32, #tpu.memory_space<vmem>> -> memref<128xi32, #tpu.memory_space<vmem>>
    %dma_start3A_140 = arith.constant 0 : i32
    %dma_start3A_141 = arith.constant 0 : i32
    %dma_start3A_142 = tpu.memref_slice %arg10[%dma_start3A_140, %dma_start3A_141] : memref<512x128xf32, #tpu.memory_space<vmem_shared>> -> memref<512x128xf32, #tpu.memory_space<vmem_shared>>
    tpu.enqueue_indirect_dma source(%dma_start3A_136 : memref<128x128xf32, #tpu.memory_space<vmem>>) target(%dma_start3A_142 : memref<512x128xf32, #tpu.memory_space<vmem_shared>>) offsets(%dma_start3A_139 : memref<128xi32, #tpu.memory_space<vmem>>) semaphore(%arg16 : memref<!tpu.dma_semaphore, #tpu.memory_space<semaphore_mem>>) {add = true}
    %dma_start3A_143 = arith.constant 0 : i32
    %dma_start3A_144 = arith.constant 1 : i32
    %dma_start3A_145 = arith.constant 0 : i32
    %dma_start3A_146 = tpu.memref_slice %arg6[%dma_start3A_143, %dma_start3A_144, %dma_start3A_145] : memref<2x2x128xi32, #tpu.memory_space<vmem>> -> memref<1x1x128xi32, #tpu.memory_space<vmem>>
    %dma_start3A_147 = tpu.memref_squeeze %dma_start3A_146 : memref<1x1x128xi32, #tpu.memory_space<vmem>> -> memref<128xi32, #tpu.memory_space<vmem>>
    %dma_start3A_148 = arith.constant 0 : i32
    %dma_start3A_149 = arith.constant 0 : i32
    %dma_start3A_150 = tpu.memref_slice %arg11[%dma_start3A_148, %dma_start3A_149] : memref<512x128xf32, #tpu.memory_space<vmem_shared>> -> memref<512x128xf32, #tpu.memory_space<vmem_shared>>
    tpu.enqueue_indirect_dma source(%arg8 : memref<128x128xf32, #tpu.memory_space<vmem>>) target(%dma_start3A_150 : memref<512x128xf32, #tpu.memory_space<vmem_shared>>) offsets(%dma_start3A_147 : memref<128xi32, #tpu.memory_space<vmem>>) semaphore(%arg16 : memref<!tpu.dma_semaphore, #tpu.memory_space<semaphore_mem>>) {add = true}
    %dma_wait3A_151 = arith.constant 1 : i32
    %dma_wait3A_152 = arith.constant 0 : i32
    %dma_wait3A_153 = arith.constant 1 : i32
    %dma_wait3A_154 = arith.constant 0 : i32
    %dma_wait3A_155 = arith.constant 0 : i32
    %dma_wait3A_156 = tpu.memref_slice %arg7[%dma_wait3A_153, %dma_wait3A_154, %dma_wait3A_155] : memref<2x128x128xf32, #tpu.memory_space<vmem>> -> memref<1x128x128xf32, #tpu.memory_space<vmem>>
    %dma_wait3A_157 = tpu.memref_squeeze %dma_wait3A_156 : memref<1x128x128xf32, #tpu.memory_space<vmem>> -> memref<128x128xf32, #tpu.memory_space<vmem>>
    %dma_wait3A_158 = arith.constant 0 : i32
    %dma_wait3A_159 = tpu.memref_slice %arg6[%dma_wait3A_151, %dma_wait3A_152, %dma_wait3A_158] : memref<2x2x128xi32, #tpu.memory_space<vmem>> -> memref<1x1x128xi32, #tpu.memory_space<vmem>>
    %dma_wait3A_160 = tpu.memref_squeeze %dma_wait3A_159 : memref<1x1x128xi32, #tpu.memory_space<vmem>> -> memref<128xi32, #tpu.memory_space<vmem>>
    %dma_wait3A_161 = arith.constant 0 : i32
    %dma_wait3A_162 = arith.constant 0 : i32
    %dma_wait3A_163 = tpu.memref_slice %arg2[%dma_wait3A_161, %dma_wait3A_162] : memref<512x128xf32, #tpu.memory_space<hbm>> -> memref<512x128xf32, #tpu.memory_space<hbm>>
    tpu.wait_indirect_dma semaphore(%arg15 : memref<!tpu.dma_semaphore, #tpu.memory_space<semaphore_mem>>) src(%dma_wait3A_163 : memref<512x128xf32, #tpu.memory_space<hbm>>) dst(%dma_wait3A_157 : memref<128x128xf32, #tpu.memory_space<vmem>>)
    %dma_start3A_164 = arith.constant 1 : i32
    %dma_start3A_165 = arith.constant 1 : i32
    %dma_start3A_166 = arith.constant 1 : i32
    %dma_start3A_167 = arith.constant 0 : i32
    %dma_start3A_168 = arith.constant 0 : i32
    %dma_start3A_169 = tpu.memref_slice %arg7[%dma_start3A_164, %dma_start3A_167, %dma_start3A_168] : memref<2x128x128xf32, #tpu.memory_space<vmem>> -> memref<1x128x128xf32, #tpu.memory_space<vmem>>
    %dma_start3A_170 = tpu.memref_squeeze %dma_start3A_169 : memref<1x128x128xf32, #tpu.memory_space<vmem>> -> memref<128x128xf32, #tpu.memory_space<vmem>>
    %dma_start3A_171 = arith.constant 0 : i32
    %dma_start3A_172 = tpu.memref_slice %arg6[%dma_start3A_165, %dma_start3A_166, %dma_start3A_171] : memref<2x2x128xi32, #tpu.memory_space<vmem>> -> memref<1x1x128xi32, #tpu.memory_space<vmem>>
    %dma_start3A_173 = tpu.memref_squeeze %dma_start3A_172 : memref<1x1x128xi32, #tpu.memory_space<vmem>> -> memref<128xi32, #tpu.memory_space<vmem>>
    %dma_start3A_174 = arith.constant 0 : i32
    %dma_start3A_175 = arith.constant 0 : i32
    %dma_start3A_176 = tpu.memref_slice %arg10[%dma_start3A_174, %dma_start3A_175] : memref<512x128xf32, #tpu.memory_space<vmem_shared>> -> memref<512x128xf32, #tpu.memory_space<vmem_shared>>
    tpu.enqueue_indirect_dma source(%dma_start3A_170 : memref<128x128xf32, #tpu.memory_space<vmem>>) target(%dma_start3A_176 : memref<512x128xf32, #tpu.memory_space<vmem_shared>>) offsets(%dma_start3A_173 : memref<128xi32, #tpu.memory_space<vmem>>) semaphore(%arg16 : memref<!tpu.dma_semaphore, #tpu.memory_space<semaphore_mem>>) {add = true}
    %dma_start3A_177 = arith.constant 1 : i32
    %dma_start3A_178 = arith.constant 1 : i32
    %dma_start3A_179 = arith.constant 0 : i32
    %dma_start3A_180 = tpu.memref_slice %arg6[%dma_start3A_177, %dma_start3A_178, %dma_start3A_179] : memref<2x2x128xi32, #tpu.memory_space<vmem>> -> memref<1x1x128xi32, #tpu.memory_space<vmem>>
    %dma_start3A_181 = tpu.memref_squeeze %dma_start3A_180 : memref<1x1x128xi32, #tpu.memory_space<vmem>> -> memref<128xi32, #tpu.memory_space<vmem>>
    %dma_start3A_182 = arith.constant 0 : i32
    %dma_start3A_183 = arith.constant 0 : i32
    %dma_start3A_184 = tpu.memref_slice %arg11[%dma_start3A_182, %dma_start3A_183] : memref<512x128xf32, #tpu.memory_space<vmem_shared>> -> memref<512x128xf32, #tpu.memory_space<vmem_shared>>
    tpu.enqueue_indirect_dma source(%arg8 : memref<128x128xf32, #tpu.memory_space<vmem>>) target(%dma_start3A_184 : memref<512x128xf32, #tpu.memory_space<vmem_shared>>) offsets(%dma_start3A_181 : memref<128xi32, #tpu.memory_space<vmem>>) semaphore(%arg16 : memref<!tpu.dma_semaphore, #tpu.memory_space<semaphore_mem>>) {add = true}
    %dma_wait3A_185 = arith.constant 0 : i32
    %dma_wait3A_186 = arith.constant 0 : i32
    %dma_wait3A_187 = arith.constant 1 : i32
    %dma_wait3A_188 = arith.constant 0 : i32
    %dma_wait3A_189 = arith.constant 0 : i32
    %dma_wait3A_190 = tpu.memref_slice %arg7[%dma_wait3A_185, %dma_wait3A_188, %dma_wait3A_189] : memref<2x128x128xf32, #tpu.memory_space<vmem>> -> memref<1x128x128xf32, #tpu.memory_space<vmem>>
    %dma_wait3A_191 = tpu.memref_squeeze %dma_wait3A_190 : memref<1x128x128xf32, #tpu.memory_space<vmem>> -> memref<128x128xf32, #tpu.memory_space<vmem>>
    %dma_wait3A_192 = arith.constant 0 : i32
    %dma_wait3A_193 = tpu.memref_slice %arg6[%dma_wait3A_186, %dma_wait3A_187, %dma_wait3A_192] : memref<2x2x128xi32, #tpu.memory_space<vmem>> -> memref<1x1x128xi32, #tpu.memory_space<vmem>>
    %dma_wait3A_194 = tpu.memref_squeeze %dma_wait3A_193 : memref<1x1x128xi32, #tpu.memory_space<vmem>> -> memref<128xi32, #tpu.memory_space<vmem>>
    %dma_wait3A_195 = arith.constant 0 : i32
    %dma_wait3A_196 = arith.constant 0 : i32
    %dma_wait3A_197 = tpu.memref_slice %arg10[%dma_wait3A_195, %dma_wait3A_196] : memref<512x128xf32, #tpu.memory_space<vmem_shared>> -> memref<512x128xf32, #tpu.memory_space<vmem_shared>>
    tpu.wait_indirect_dma semaphore(%arg16 : memref<!tpu.dma_semaphore, #tpu.memory_space<semaphore_mem>>) src(%dma_wait3A_191 : memref<128x128xf32, #tpu.memory_space<vmem>>) dst(%dma_wait3A_197 : memref<512x128xf32, #tpu.memory_space<vmem_shared>>)
    %dma_wait3A_198 = arith.constant 0 : i32
    %dma_wait3A_199 = arith.constant 1 : i32
    %dma_wait3A_200 = arith.constant 0 : i32
    %dma_wait3A_201 = tpu.memref_slice %arg6[%dma_wait3A_198, %dma_wait3A_199, %dma_wait3A_200] : memref<2x2x128xi32, #tpu.memory_space<vmem>> -> memref<1x1x128xi32, #tpu.memory_space<vmem>>
    %dma_wait3A_202 = tpu.memref_squeeze %dma_wait3A_201 : memref<1x1x128xi32, #tpu.memory_space<vmem>> -> memref<128xi32, #tpu.memory_space<vmem>>
    %dma_wait3A_203 = arith.constant 0 : i32
    %dma_wait3A_204 = arith.constant 0 : i32
    %dma_wait3A_205 = tpu.memref_slice %arg11[%dma_wait3A_203, %dma_wait3A_204] : memref<512x128xf32, #tpu.memory_space<vmem_shared>> -> memref<512x128xf32, #tpu.memory_space<vmem_shared>>
    tpu.wait_indirect_dma semaphore(%arg16 : memref<!tpu.dma_semaphore, #tpu.memory_space<semaphore_mem>>) src(%arg8 : memref<128x128xf32, #tpu.memory_space<vmem>>) dst(%dma_wait3A_205 : memref<512x128xf32, #tpu.memory_space<vmem_shared>>)
    %dma_wait3A_206 = arith.constant 1 : i32
    %dma_wait3A_207 = arith.constant 1 : i32
    %dma_wait3A_208 = arith.constant 1 : i32
    %dma_wait3A_209 = arith.constant 0 : i32
    %dma_wait3A_210 = arith.constant 0 : i32
    %dma_wait3A_211 = tpu.memref_slice %arg7[%dma_wait3A_206, %dma_wait3A_209, %dma_wait3A_210] : memref<2x128x128xf32, #tpu.memory_space<vmem>> -> memref<1x128x128xf32, #tpu.memory_space<vmem>>
    %dma_wait3A_212 = tpu.memref_squeeze %dma_wait3A_211 : memref<1x128x128xf32, #tpu.memory_space<vmem>> -> memref<128x128xf32, #tpu.memory_space<vmem>>
    %dma_wait3A_213 = arith.constant 0 : i32
    %dma_wait3A_214 = tpu.memref_slice %arg6[%dma_wait3A_207, %dma_wait3A_208, %dma_wait3A_213] : memref<2x2x128xi32, #tpu.memory_space<vmem>> -> memref<1x1x128xi32, #tpu.memory_space<vmem>>
    %dma_wait3A_215 = tpu.memref_squeeze %dma_wait3A_214 : memref<1x1x128xi32, #tpu.memory_space<vmem>> -> memref<128xi32, #tpu.memory_space<vmem>>
    %dma_wait3A_216 = arith.constant 0 : i32
    %dma_wait3A_217 = arith.constant 0 : i32
    %dma_wait3A_218 = tpu.memref_slice %arg10[%dma_wait3A_216, %dma_wait3A_217] : memref<512x128xf32, #tpu.memory_space<vmem_shared>> -> memref<512x128xf32, #tpu.memory_space<vmem_shared>>
    tpu.wait_indirect_dma semaphore(%arg16 : memref<!tpu.dma_semaphore, #tpu.memory_space<semaphore_mem>>) src(%dma_wait3A_212 : memref<128x128xf32, #tpu.memory_space<vmem>>) dst(%dma_wait3A_218 : memref<512x128xf32, #tpu.memory_space<vmem_shared>>)
    %dma_wait3A_219 = arith.constant 1 : i32
    %dma_wait3A_220 = arith.constant 1 : i32
    %dma_wait3A_221 = arith.constant 0 : i32
    %dma_wait3A_222 = tpu.memref_slice %arg6[%dma_wait3A_219, %dma_wait3A_220, %dma_wait3A_221] : memref<2x2x128xi32, #tpu.memory_space<vmem>> -> memref<1x1x128xi32, #tpu.memory_space<vmem>>
    %dma_wait3A_223 = tpu.memref_squeeze %dma_wait3A_222 : memref<1x1x128xi32, #tpu.memory_space<vmem>> -> memref<128xi32, #tpu.memory_space<vmem>>
    %dma_wait3A_224 = arith.constant 0 : i32
    %dma_wait3A_225 = arith.constant 0 : i32
    %dma_wait3A_226 = tpu.memref_slice %arg11[%dma_wait3A_224, %dma_wait3A_225] : memref<512x128xf32, #tpu.memory_space<vmem_shared>> -> memref<512x128xf32, #tpu.memory_space<vmem_shared>>
    tpu.wait_indirect_dma semaphore(%arg16 : memref<!tpu.dma_semaphore, #tpu.memory_space<semaphore_mem>>) src(%arg8 : memref<128x128xf32, #tpu.memory_space<vmem>>) dst(%dma_wait3A_226 : memref<512x128xf32, #tpu.memory_space<vmem_shared>>)
    %barrier3A_227 = arith.constant 0 : index
    tpu.barrier barrier_id(%barrier3A_227)
    %dma_start3A_228 = arith.constant 0 : i32
    %dma_start3A_229 = tpu.memref_slice %arg4[%arg0, %mul3A_2, %dma_start3A_228] : memref<2x512x128xf32, #tpu.memory_space<hbm>> -> memref<1x32x128xf32, #tpu.memory_space<hbm>>
    %dma_start3A_230 = tpu.memref_squeeze %dma_start3A_229 : memref<1x32x128xf32, #tpu.memory_space<hbm>> -> memref<32x128xf32, #tpu.memory_space<hbm>>
    %dma_start3A_231 = arith.constant 0 : i32
    %dma_start3A_232 = tpu.memref_slice %arg10[%mul3A_2, %dma_start3A_231] : memref<512x128xf32, #tpu.memory_space<vmem_shared>> -> memref<32x128xf32, #tpu.memory_space<vmem_shared>>
    tpu.enqueue_dma source(%dma_start3A_232 : memref<32x128xf32, #tpu.memory_space<vmem_shared>>) target(%dma_start3A_230 : memref<32x128xf32, #tpu.memory_space<hbm>>) target_semaphore(%arg17 : memref<!tpu.dma_semaphore, #tpu.memory_space<semaphore_mem>>)
    %dma_start3A_233 = arith.constant 0 : i32
    %dma_start3A_234 = tpu.memref_slice %arg5[%arg0, %mul3A_2, %dma_start3A_233] : memref<2x512x128xf32, #tpu.memory_space<hbm>> -> memref<1x32x128xf32, #tpu.memory_space<hbm>>
    %dma_start3A_235 = tpu.memref_squeeze %dma_start3A_234 : memref<1x32x128xf32, #tpu.memory_space<hbm>> -> memref<32x128xf32, #tpu.memory_space<hbm>>
    %dma_start3A_236 = arith.constant 0 : i32
    %dma_start3A_237 = tpu.memref_slice %arg11[%mul3A_2, %dma_start3A_236] : memref<512x128xf32, #tpu.memory_space<vmem_shared>> -> memref<32x128xf32, #tpu.memory_space<vmem_shared>>
    tpu.enqueue_dma source(%dma_start3A_237 : memref<32x128xf32, #tpu.memory_space<vmem_shared>>) target(%dma_start3A_235 : memref<32x128xf32, #tpu.memory_space<hbm>>) target_semaphore(%arg17 : memref<!tpu.dma_semaphore, #tpu.memory_space<semaphore_mem>>)
    %dma_wait3A_238 = arith.constant 0 : i32
    %dma_wait3A_239 = tpu.memref_slice %arg4[%arg0, %mul3A_2, %dma_wait3A_238] : memref<2x512x128xf32, #tpu.memory_space<hbm>> -> memref<1x32x128xf32, #tpu.memory_space<hbm>>
    %dma_wait3A_240 = tpu.memref_squeeze %dma_wait3A_239 : memref<1x32x128xf32, #tpu.memory_space<hbm>> -> memref<32x128xf32, #tpu.memory_space<hbm>>
    %dma_wait3A_241 = arith.constant 0 : i32
    %dma_wait3A_242 = tpu.memref_slice %arg10[%mul3A_2, %dma_wait3A_241] : memref<512x128xf32, #tpu.memory_space<vmem_shared>> -> memref<32x128xf32, #tpu.memory_space<vmem_shared>>
    tpu.wait_dma2 semaphore(%arg17 : memref<!tpu.dma_semaphore, #tpu.memory_space<semaphore_mem>>) src(%dma_wait3A_242 : memref<32x128xf32, #tpu.memory_space<vmem_shared>>) dst(%dma_wait3A_240 : memref<32x128xf32, #tpu.memory_space<hbm>>)
    %dma_wait3A_243 = arith.constant 0 : i32
    %dma_wait3A_244 = tpu.memref_slice %arg5[%arg0, %mul3A_2, %dma_wait3A_243] : memref<2x512x128xf32, #tpu.memory_space<hbm>> -> memref<1x32x128xf32, #tpu.memory_space<hbm>>
    %dma_wait3A_245 = tpu.memref_squeeze %dma_wait3A_244 : memref<1x32x128xf32, #tpu.memory_space<hbm>> -> memref<32x128xf32, #tpu.memory_space<hbm>>
    %dma_wait3A_246 = arith.constant 0 : i32
    %dma_wait3A_247 = tpu.memref_slice %arg11[%mul3A_2, %dma_wait3A_246] : memref<512x128xf32, #tpu.memory_space<vmem_shared>> -> memref<32x128xf32, #tpu.memory_space<vmem_shared>>
    tpu.wait_dma2 semaphore(%arg17 : memref<!tpu.dma_semaphore, #tpu.memory_space<semaphore_mem>>) src(%dma_wait3A_247 : memref<32x128xf32, #tpu.memory_space<vmem_shared>>) dst(%dma_wait3A_245 : memref<32x128xf32, #tpu.memory_space<hbm>>)
    return
  }
}

#map = affine_map<(d0, d1) -> (0, 0)>
#map1 = affine_map<(d0, d1) -> (0, 0, 0)>
module attributes {stable_mosaic.version = 14 : i64} {
  func.func @sage_segment_sum(%arg0: i32, %arg1: i32, %arg2: memref<512x128xf32, #tpu.memory_space<hbm>>, %arg3: memref<2x8192xi32, #tpu.memory_space<hbm>>, %arg4: memref<2x512x128xf32, #tpu.memory_space<hbm>>, %arg5: memref<2x2x128xi32, #tpu.memory_space<vmem>>, %arg6: memref<2x128x128xf32, #tpu.memory_space<vmem>>, %arg7: memref<32x128xf32, #tpu.memory_space<vmem>>, %arg8: memref<512x128xf32, #tpu.memory_space<vmem_shared>>, %arg9: memref<!tpu.dma_semaphore, #tpu.memory_space<semaphore_mem>>, %arg10: memref<!tpu.dma_semaphore, #tpu.memory_space<semaphore_mem>>, %arg11: memref<!tpu.dma_semaphore, #tpu.memory_space<semaphore_mem>>, %arg12: memref<!tpu.dma_semaphore, #tpu.memory_space<semaphore_mem>>, %arg13: memref<!tpu.dma_semaphore, #tpu.memory_space<semaphore_mem>>, %arg14: memref<!tpu.dma_semaphore, #tpu.memory_space<semaphore_mem>>) attributes {dimension_semantics = [#tpu.dimension_semantics<core_parallel>, #tpu.dimension_semantics<subcore_parallel>], iteration_bounds = array<i64: 2, 16>, scalar_prefetch = 0 : i64, scratch_operands = 10 : i64, tpu.core_type = #tpu.core_type<sc_vector_subcore>, window_params = [{transform_indices = #map}, {transform_indices = #map}, {transform_indices = #map1}]} {
    %mul3A = arith.constant 2 : i32
    %mul3A_0 = arith.muli %arg1, %mul3A : i32
    %add3A = arith.addi %mul3A_0, %arg0 : i32
    %mul3A_1 = arith.constant 32 : i32
    %mul3A_2 = arith.muli %arg1, %mul3A_1 : i32
    %mul3A_3 = arith.constant 256 : i32
    %mul3A_4 = arith.muli %add3A, %mul3A_3 : i32
    %add3A_5 = arith.constant 0 : i32
    %add3A_6 = arith.addi %mul3A_4, %add3A_5 : i32
    %dma_start3A = arith.constant 0 : i32
    %dma_start3A_7 = arith.constant 0 : i32
    %dma_start3A_8 = arith.constant 0 : i32
    %dma_start3A_9 = tpu.memref_slice %arg5[%dma_start3A, %dma_start3A_7, %dma_start3A_8] : memref<2x2x128xi32, #tpu.memory_space<vmem>> -> memref<1x2x128xi32, #tpu.memory_space<vmem>>
    %dma_start3A_10 = tpu.memref_squeeze %dma_start3A_9 : memref<1x2x128xi32, #tpu.memory_space<vmem>> -> memref<2x128xi32, #tpu.memory_space<vmem>>
    %dma_start3A_11 = arith.constant 0 : i32
    %dma_start3A_12 = tpu.memref_slice %arg3[%dma_start3A_11, %add3A_6] : memref<2x8192xi32, #tpu.memory_space<hbm>> -> memref<2x128xi32, #tpu.memory_space<hbm>>
    %dma_start3A_13 = arith.constant 0 : i32
    %dma_start3A_14 = arith.constant 0 : i32
    %dma_start3A_15 = tpu.memref_slice %arg5[%dma_start3A, %dma_start3A_13, %dma_start3A_14] : memref<2x2x128xi32, #tpu.memory_space<vmem>> -> memref<1x2x128xi32, #tpu.memory_space<vmem>>
    %dma_start3A_16 = tpu.memref_squeeze %dma_start3A_15 : memref<1x2x128xi32, #tpu.memory_space<vmem>> -> memref<2x128xi32, #tpu.memory_space<vmem>>
    %dma_start3A_17 = arith.constant 0 : i32
    %dma_start3A_18 = tpu.memref_slice %arg3[%dma_start3A_17, %add3A_6] : memref<2x8192xi32, #tpu.memory_space<hbm>> -> memref<2x128xi32, #tpu.memory_space<hbm>>
    tpu.enqueue_dma source(%dma_start3A_18 : memref<2x128xi32, #tpu.memory_space<hbm>>) target(%dma_start3A_16 : memref<2x128xi32, #tpu.memory_space<vmem>>) target_semaphore(%arg10 : memref<!tpu.dma_semaphore, #tpu.memory_space<semaphore_mem>>)
    %add3A_19 = arith.constant 128 : i32
    %add3A_20 = arith.addi %mul3A_4, %add3A_19 : i32
    %dma_start3A_21 = arith.constant 1 : i32
    %dma_start3A_22 = arith.constant 0 : i32
    %dma_start3A_23 = arith.constant 0 : i32
    %dma_start3A_24 = tpu.memref_slice %arg5[%dma_start3A_21, %dma_start3A_22, %dma_start3A_23] : memref<2x2x128xi32, #tpu.memory_space<vmem>> -> memref<1x2x128xi32, #tpu.memory_space<vmem>>
    %dma_start3A_25 = tpu.memref_squeeze %dma_start3A_24 : memref<1x2x128xi32, #tpu.memory_space<vmem>> -> memref<2x128xi32, #tpu.memory_space<vmem>>
    %dma_start3A_26 = arith.constant 0 : i32
    %dma_start3A_27 = tpu.memref_slice %arg3[%dma_start3A_26, %add3A_20] : memref<2x8192xi32, #tpu.memory_space<hbm>> -> memref<2x128xi32, #tpu.memory_space<hbm>>
    %dma_start3A_28 = arith.constant 0 : i32
    %dma_start3A_29 = arith.constant 0 : i32
    %dma_start3A_30 = tpu.memref_slice %arg5[%dma_start3A_21, %dma_start3A_28, %dma_start3A_29] : memref<2x2x128xi32, #tpu.memory_space<vmem>> -> memref<1x2x128xi32, #tpu.memory_space<vmem>>
    %dma_start3A_31 = tpu.memref_squeeze %dma_start3A_30 : memref<1x2x128xi32, #tpu.memory_space<vmem>> -> memref<2x128xi32, #tpu.memory_space<vmem>>
    %dma_start3A_32 = arith.constant 0 : i32
    %dma_start3A_33 = tpu.memref_slice %arg3[%dma_start3A_32, %add3A_20] : memref<2x8192xi32, #tpu.memory_space<hbm>> -> memref<2x128xi32, #tpu.memory_space<hbm>>
    tpu.enqueue_dma source(%dma_start3A_33 : memref<2x128xi32, #tpu.memory_space<hbm>>) target(%dma_start3A_31 : memref<2x128xi32, #tpu.memory_space<vmem>>) target_semaphore(%arg10 : memref<!tpu.dma_semaphore, #tpu.memory_space<semaphore_mem>>)
    %broadcast_in_dim3A = arith.constant 0.000000e+00 : f32
    %broadcast_in_dim3A_34 = vector.broadcast %broadcast_in_dim3A : f32 to vector<16xf32>
    %scan3A = arith.constant 0 : i32
    %scan3A_35 = arith.constant 0 : i32
    %scan3A_36 = arith.constant 32 : i32
    %scan3A_37 = arith.addi %scan3A_35, %scan3A_36 : i32
    %scan3A_38 = arith.constant 1 : i32
    %scan3A_39 = scf.for %scan3A_189 = %scan3A_35 to %scan3A_37 step %scan3A_38 iter_args(%scan3A_190 = %scan3A) -> (i32)  : i32 {
      %swap3A = arith.index_cast %scan3A_189 : i32 to index
      %swap3A_191 = arith.constant 0 : index
      %swap3A_192 = tpu.vector_load %arg7[%swap3A, %swap3A_191] {strides = array<i32>} : memref<32x128xf32, #tpu.memory_space<vmem>>, vector<1x16xf32>,
      %swap3A_193 = vector.shape_cast %swap3A_192 : vector<1x16xf32> to vector<16xf32>
      %swap3A_194 = vector.shape_cast %broadcast_in_dim3A_34 : vector<16xf32> to vector<1x16xf32>
      tpu.vector_store %arg7[%swap3A, %swap3A_191], %swap3A_194 {strides = array<i32>} : memref<32x128xf32, #tpu.memory_space<vmem>>, vector<1x16xf32>,
      %swap3A_195 = arith.index_cast %scan3A_189 : i32 to index
      %swap3A_196 = arith.constant 16 : index
      %swap3A_197 = tpu.vector_load %arg7[%swap3A_195, %swap3A_196] {strides = array<i32>} : memref<32x128xf32, #tpu.memory_space<vmem>>, vector<1x16xf32>,
      %swap3A_198 = vector.shape_cast %swap3A_197 : vector<1x16xf32> to vector<16xf32>
      %swap3A_199 = vector.shape_cast %broadcast_in_dim3A_34 : vector<16xf32> to vector<1x16xf32>
      tpu.vector_store %arg7[%swap3A_195, %swap3A_196], %swap3A_199 {strides = array<i32>} : memref<32x128xf32, #tpu.memory_space<vmem>>, vector<1x16xf32>,
      %swap3A_200 = arith.index_cast %scan3A_189 : i32 to index
      %swap3A_201 = arith.constant 32 : index
      %swap3A_202 = tpu.vector_load %arg7[%swap3A_200, %swap3A_201] {strides = array<i32>} : memref<32x128xf32, #tpu.memory_space<vmem>>, vector<1x16xf32>,
      %swap3A_203 = vector.shape_cast %swap3A_202 : vector<1x16xf32> to vector<16xf32>
      %swap3A_204 = vector.shape_cast %broadcast_in_dim3A_34 : vector<16xf32> to vector<1x16xf32>
      tpu.vector_store %arg7[%swap3A_200, %swap3A_201], %swap3A_204 {strides = array<i32>} : memref<32x128xf32, #tpu.memory_space<vmem>>, vector<1x16xf32>,
      %swap3A_205 = arith.index_cast %scan3A_189 : i32 to index
      %swap3A_206 = arith.constant 48 : index
      %swap3A_207 = tpu.vector_load %arg7[%swap3A_205, %swap3A_206] {strides = array<i32>} : memref<32x128xf32, #tpu.memory_space<vmem>>, vector<1x16xf32>,
      %swap3A_208 = vector.shape_cast %swap3A_207 : vector<1x16xf32> to vector<16xf32>
      %swap3A_209 = vector.shape_cast %broadcast_in_dim3A_34 : vector<16xf32> to vector<1x16xf32>
      tpu.vector_store %arg7[%swap3A_205, %swap3A_206], %swap3A_209 {strides = array<i32>} : memref<32x128xf32, #tpu.memory_space<vmem>>, vector<1x16xf32>,
      %swap3A_210 = arith.index_cast %scan3A_189 : i32 to index
      %swap3A_211 = arith.constant 64 : index
      %swap3A_212 = tpu.vector_load %arg7[%swap3A_210, %swap3A_211] {strides = array<i32>} : memref<32x128xf32, #tpu.memory_space<vmem>>, vector<1x16xf32>,
      %swap3A_213 = vector.shape_cast %swap3A_212 : vector<1x16xf32> to vector<16xf32>
      %swap3A_214 = vector.shape_cast %broadcast_in_dim3A_34 : vector<16xf32> to vector<1x16xf32>
      tpu.vector_store %arg7[%swap3A_210, %swap3A_211], %swap3A_214 {strides = array<i32>} : memref<32x128xf32, #tpu.memory_space<vmem>>, vector<1x16xf32>,
      %swap3A_215 = arith.index_cast %scan3A_189 : i32 to index
      %swap3A_216 = arith.constant 80 : index
      %swap3A_217 = tpu.vector_load %arg7[%swap3A_215, %swap3A_216] {strides = array<i32>} : memref<32x128xf32, #tpu.memory_space<vmem>>, vector<1x16xf32>,
      %swap3A_218 = vector.shape_cast %swap3A_217 : vector<1x16xf32> to vector<16xf32>
      %swap3A_219 = vector.shape_cast %broadcast_in_dim3A_34 : vector<16xf32> to vector<1x16xf32>
      tpu.vector_store %arg7[%swap3A_215, %swap3A_216], %swap3A_219 {strides = array<i32>} : memref<32x128xf32, #tpu.memory_space<vmem>>, vector<1x16xf32>,
      %swap3A_220 = arith.index_cast %scan3A_189 : i32 to index
      %swap3A_221 = arith.constant 96 : index
      %swap3A_222 = tpu.vector_load %arg7[%swap3A_220, %swap3A_221] {strides = array<i32>} : memref<32x128xf32, #tpu.memory_space<vmem>>, vector<1x16xf32>,
      %swap3A_223 = vector.shape_cast %swap3A_222 : vector<1x16xf32> to vector<16xf32>
      %swap3A_224 = vector.shape_cast %broadcast_in_dim3A_34 : vector<16xf32> to vector<1x16xf32>
      tpu.vector_store %arg7[%swap3A_220, %swap3A_221], %swap3A_224 {strides = array<i32>} : memref<32x128xf32, #tpu.memory_space<vmem>>, vector<1x16xf32>,
      %swap3A_225 = arith.index_cast %scan3A_189 : i32 to index
      %swap3A_226 = arith.constant 112 : index
      %swap3A_227 = tpu.vector_load %arg7[%swap3A_225, %swap3A_226] {strides = array<i32>} : memref<32x128xf32, #tpu.memory_space<vmem>>, vector<1x16xf32>,
      %swap3A_228 = vector.shape_cast %swap3A_227 : vector<1x16xf32> to vector<16xf32>
      %swap3A_229 = vector.shape_cast %broadcast_in_dim3A_34 : vector<16xf32> to vector<1x16xf32>
      tpu.vector_store %arg7[%swap3A_225, %swap3A_226], %swap3A_229 {strides = array<i32>} : memref<32x128xf32, #tpu.memory_space<vmem>>, vector<1x16xf32>,
      %scan3A_230 = arith.constant 0 : i32
      scf.yield %scan3A_230 : i32
    }
    %scan3A_40 = arith.constant 32 : i32
    %dma_start3A_41 = arith.constant 0 : i32
    %dma_start3A_42 = tpu.memref_slice %arg8[%mul3A_2, %dma_start3A_41] : memref<512x128xf32, #tpu.memory_space<vmem_shared>> -> memref<32x128xf32, #tpu.memory_space<vmem_shared>>
    %dma_start3A_43 = arith.constant 0 : i32
    %dma_start3A_44 = tpu.memref_slice %arg8[%mul3A_2, %dma_start3A_43] : memref<512x128xf32, #tpu.memory_space<vmem_shared>> -> memref<32x128xf32, #tpu.memory_space<vmem_shared>>
    tpu.enqueue_dma source(%arg7 : memref<32x128xf32, #tpu.memory_space<vmem>>) target(%dma_start3A_44 : memref<32x128xf32, #tpu.memory_space<vmem_shared>>) target_semaphore(%arg9 : memref<!tpu.dma_semaphore, #tpu.memory_space<semaphore_mem>>)
    %dma_wait3A = arith.constant 0 : i32
    %dma_wait3A_45 = arith.constant 0 : i32
    %dma_wait3A_46 = arith.constant 0 : i32
    %dma_wait3A_47 = tpu.memref_slice %arg5[%dma_wait3A, %dma_wait3A_45, %dma_wait3A_46] : memref<2x2x128xi32, #tpu.memory_space<vmem>> -> memref<1x2x128xi32, #tpu.memory_space<vmem>>
    %dma_wait3A_48 = tpu.memref_squeeze %dma_wait3A_47 : memref<1x2x128xi32, #tpu.memory_space<vmem>> -> memref<2x128xi32, #tpu.memory_space<vmem>>
    %dma_wait3A_49 = arith.constant 0 : i32
    %dma_wait3A_50 = tpu.memref_slice %arg3[%dma_wait3A_49, %add3A_6] : memref<2x8192xi32, #tpu.memory_space<hbm>> -> memref<2x128xi32, #tpu.memory_space<hbm>>
    %dma_wait3A_51 = arith.constant 0 : i32
    %dma_wait3A_52 = arith.constant 0 : i32
    %dma_wait3A_53 = tpu.memref_slice %arg5[%dma_wait3A, %dma_wait3A_51, %dma_wait3A_52] : memref<2x2x128xi32, #tpu.memory_space<vmem>> -> memref<1x2x128xi32, #tpu.memory_space<vmem>>
    %dma_wait3A_54 = tpu.memref_squeeze %dma_wait3A_53 : memref<1x2x128xi32, #tpu.memory_space<vmem>> -> memref<2x128xi32, #tpu.memory_space<vmem>>
    %dma_wait3A_55 = arith.constant 0 : i32
    %dma_wait3A_56 = tpu.memref_slice %arg3[%dma_wait3A_55, %add3A_6] : memref<2x8192xi32, #tpu.memory_space<hbm>> -> memref<2x128xi32, #tpu.memory_space<hbm>>
    tpu.wait_dma2 semaphore(%arg10 : memref<!tpu.dma_semaphore, #tpu.memory_space<semaphore_mem>>) src(%dma_wait3A_56 : memref<2x128xi32, #tpu.memory_space<hbm>>) dst(%dma_wait3A_54 : memref<2x128xi32, #tpu.memory_space<vmem>>)
    %dma_wait3A_57 = arith.constant 1 : i32
    %dma_wait3A_58 = arith.constant 0 : i32
    %dma_wait3A_59 = arith.constant 0 : i32
    %dma_wait3A_60 = tpu.memref_slice %arg5[%dma_wait3A_57, %dma_wait3A_58, %dma_wait3A_59] : memref<2x2x128xi32, #tpu.memory_space<vmem>> -> memref<1x2x128xi32, #tpu.memory_space<vmem>>
    %dma_wait3A_61 = tpu.memref_squeeze %dma_wait3A_60 : memref<1x2x128xi32, #tpu.memory_space<vmem>> -> memref<2x128xi32, #tpu.memory_space<vmem>>
    %dma_wait3A_62 = arith.constant 0 : i32
    %dma_wait3A_63 = tpu.memref_slice %arg3[%dma_wait3A_62, %add3A_20] : memref<2x8192xi32, #tpu.memory_space<hbm>> -> memref<2x128xi32, #tpu.memory_space<hbm>>
    %dma_wait3A_64 = arith.constant 0 : i32
    %dma_wait3A_65 = arith.constant 0 : i32
    %dma_wait3A_66 = tpu.memref_slice %arg5[%dma_wait3A_57, %dma_wait3A_64, %dma_wait3A_65] : memref<2x2x128xi32, #tpu.memory_space<vmem>> -> memref<1x2x128xi32, #tpu.memory_space<vmem>>
    %dma_wait3A_67 = tpu.memref_squeeze %dma_wait3A_66 : memref<1x2x128xi32, #tpu.memory_space<vmem>> -> memref<2x128xi32, #tpu.memory_space<vmem>>
    %dma_wait3A_68 = arith.constant 0 : i32
    %dma_wait3A_69 = tpu.memref_slice %arg3[%dma_wait3A_68, %add3A_20] : memref<2x8192xi32, #tpu.memory_space<hbm>> -> memref<2x128xi32, #tpu.memory_space<hbm>>
    tpu.wait_dma2 semaphore(%arg10 : memref<!tpu.dma_semaphore, #tpu.memory_space<semaphore_mem>>) src(%dma_wait3A_69 : memref<2x128xi32, #tpu.memory_space<hbm>>) dst(%dma_wait3A_67 : memref<2x128xi32, #tpu.memory_space<vmem>>)
    %dma_start3A_70 = arith.constant 0 : i32
    %dma_start3A_71 = arith.constant 0 : i32
    %dma_start3A_72 = arith.constant 0 : i32
    %dma_start3A_73 = arith.constant 0 : i32
    %dma_start3A_74 = arith.constant 0 : i32
    %dma_start3A_75 = tpu.memref_slice %arg6[%dma_start3A_72, %dma_start3A_73, %dma_start3A_74] : memref<2x128x128xf32, #tpu.memory_space<vmem>> -> memref<1x128x128xf32, #tpu.memory_space<vmem>>
    %dma_start3A_76 = tpu.memref_squeeze %dma_start3A_75 : memref<1x128x128xf32, #tpu.memory_space<vmem>> -> memref<128x128xf32, #tpu.memory_space<vmem>>
    %dma_start3A_77 = arith.constant 0 : i32
    %dma_start3A_78 = tpu.memref_slice %arg5[%dma_start3A_70, %dma_start3A_71, %dma_start3A_77] : memref<2x2x128xi32, #tpu.memory_space<vmem>> -> memref<1x1x128xi32, #tpu.memory_space<vmem>>
    %dma_start3A_79 = tpu.memref_squeeze %dma_start3A_78 : memref<1x1x128xi32, #tpu.memory_space<vmem>> -> memref<128xi32, #tpu.memory_space<vmem>>
    %dma_start3A_80 = arith.constant 0 : i32
    %dma_start3A_81 = arith.constant 0 : i32
    %dma_start3A_82 = tpu.memref_slice %arg2[%dma_start3A_80, %dma_start3A_81] : memref<512x128xf32, #tpu.memory_space<hbm>> -> memref<512x128xf32, #tpu.memory_space<hbm>>
    tpu.enqueue_indirect_dma source(%dma_start3A_82 : memref<512x128xf32, #tpu.memory_space<hbm>>) target(%dma_start3A_76 : memref<128x128xf32, #tpu.memory_space<vmem>>) offsets(%dma_start3A_79 : memref<128xi32, #tpu.memory_space<vmem>>) semaphore(%arg11 : memref<!tpu.dma_semaphore, #tpu.memory_space<semaphore_mem>>)
    %dma_start3A_83 = arith.constant 1 : i32
    %dma_start3A_84 = arith.constant 0 : i32
    %dma_start3A_85 = arith.constant 1 : i32
    %dma_start3A_86 = arith.constant 0 : i32
    %dma_start3A_87 = arith.constant 0 : i32
    %dma_start3A_88 = tpu.memref_slice %arg6[%dma_start3A_85, %dma_start3A_86, %dma_start3A_87] : memref<2x128x128xf32, #tpu.memory_space<vmem>> -> memref<1x128x128xf32, #tpu.memory_space<vmem>>
    %dma_start3A_89 = tpu.memref_squeeze %dma_start3A_88 : memref<1x128x128xf32, #tpu.memory_space<vmem>> -> memref<128x128xf32, #tpu.memory_space<vmem>>
    %dma_start3A_90 = arith.constant 0 : i32
    %dma_start3A_91 = tpu.memref_slice %arg5[%dma_start3A_83, %dma_start3A_84, %dma_start3A_90] : memref<2x2x128xi32, #tpu.memory_space<vmem>> -> memref<1x1x128xi32, #tpu.memory_space<vmem>>
    %dma_start3A_92 = tpu.memref_squeeze %dma_start3A_91 : memref<1x1x128xi32, #tpu.memory_space<vmem>> -> memref<128xi32, #tpu.memory_space<vmem>>
    %dma_start3A_93 = arith.constant 0 : i32
    %dma_start3A_94 = arith.constant 0 : i32
    %dma_start3A_95 = tpu.memref_slice %arg2[%dma_start3A_93, %dma_start3A_94] : memref<512x128xf32, #tpu.memory_space<hbm>> -> memref<512x128xf32, #tpu.memory_space<hbm>>
    tpu.enqueue_indirect_dma source(%dma_start3A_95 : memref<512x128xf32, #tpu.memory_space<hbm>>) target(%dma_start3A_89 : memref<128x128xf32, #tpu.memory_space<vmem>>) offsets(%dma_start3A_92 : memref<128xi32, #tpu.memory_space<vmem>>) semaphore(%arg12 : memref<!tpu.dma_semaphore, #tpu.memory_space<semaphore_mem>>)
    %dma_wait3A_96 = arith.constant 0 : i32
    %dma_wait3A_97 = tpu.memref_slice %arg8[%mul3A_2, %dma_wait3A_96] : memref<512x128xf32, #tpu.memory_space<vmem_shared>> -> memref<32x128xf32, #tpu.memory_space<vmem_shared>>
    %dma_wait3A_98 = arith.constant 0 : i32
    %dma_wait3A_99 = tpu.memref_slice %arg8[%mul3A_2, %dma_wait3A_98] : memref<512x128xf32, #tpu.memory_space<vmem_shared>> -> memref<32x128xf32, #tpu.memory_space<vmem_shared>>
    tpu.wait_dma2 semaphore(%arg9 : memref<!tpu.dma_semaphore, #tpu.memory_space<semaphore_mem>>) src(%arg7 : memref<32x128xf32, #tpu.memory_space<vmem>>) dst(%dma_wait3A_99 : memref<32x128xf32, #tpu.memory_space<vmem_shared>>)
    %barrier3A = arith.constant 0 : index
    tpu.barrier barrier_id(%barrier3A)
    %dma_wait3A_100 = arith.constant 0 : i32
    %dma_wait3A_101 = arith.constant 0 : i32
    %dma_wait3A_102 = arith.constant 0 : i32
    %dma_wait3A_103 = arith.constant 0 : i32
    %dma_wait3A_104 = arith.constant 0 : i32
    %dma_wait3A_105 = tpu.memref_slice %arg6[%dma_wait3A_102, %dma_wait3A_103, %dma_wait3A_104] : memref<2x128x128xf32, #tpu.memory_space<vmem>> -> memref<1x128x128xf32, #tpu.memory_space<vmem>>
    %dma_wait3A_106 = tpu.memref_squeeze %dma_wait3A_105 : memref<1x128x128xf32, #tpu.memory_space<vmem>> -> memref<128x128xf32, #tpu.memory_space<vmem>>
    %dma_wait3A_107 = arith.constant 0 : i32
    %dma_wait3A_108 = tpu.memref_slice %arg5[%dma_wait3A_100, %dma_wait3A_101, %dma_wait3A_107] : memref<2x2x128xi32, #tpu.memory_space<vmem>> -> memref<1x1x128xi32, #tpu.memory_space<vmem>>
    %dma_wait3A_109 = tpu.memref_squeeze %dma_wait3A_108 : memref<1x1x128xi32, #tpu.memory_space<vmem>> -> memref<128xi32, #tpu.memory_space<vmem>>
    %dma_wait3A_110 = arith.constant 0 : i32
    %dma_wait3A_111 = arith.constant 0 : i32
    %dma_wait3A_112 = tpu.memref_slice %arg2[%dma_wait3A_110, %dma_wait3A_111] : memref<512x128xf32, #tpu.memory_space<hbm>> -> memref<512x128xf32, #tpu.memory_space<hbm>>
    tpu.wait_indirect_dma semaphore(%arg11 : memref<!tpu.dma_semaphore, #tpu.memory_space<semaphore_mem>>) src(%dma_wait3A_112 : memref<512x128xf32, #tpu.memory_space<hbm>>) dst(%dma_wait3A_106 : memref<128x128xf32, #tpu.memory_space<vmem>>)
    %dma_start3A_113 = arith.constant 0 : i32
    %dma_start3A_114 = arith.constant 0 : i32
    %dma_start3A_115 = arith.constant 1 : i32
    %dma_start3A_116 = arith.constant 0 : i32
    %dma_start3A_117 = arith.constant 0 : i32
    %dma_start3A_118 = tpu.memref_slice %arg6[%dma_start3A_113, %dma_start3A_116, %dma_start3A_117] : memref<2x128x128xf32, #tpu.memory_space<vmem>> -> memref<1x128x128xf32, #tpu.memory_space<vmem>>
    %dma_start3A_119 = tpu.memref_squeeze %dma_start3A_118 : memref<1x128x128xf32, #tpu.memory_space<vmem>> -> memref<128x128xf32, #tpu.memory_space<vmem>>
    %dma_start3A_120 = arith.constant 0 : i32
    %dma_start3A_121 = tpu.memref_slice %arg5[%dma_start3A_114, %dma_start3A_115, %dma_start3A_120] : memref<2x2x128xi32, #tpu.memory_space<vmem>> -> memref<1x1x128xi32, #tpu.memory_space<vmem>>
    %dma_start3A_122 = tpu.memref_squeeze %dma_start3A_121 : memref<1x1x128xi32, #tpu.memory_space<vmem>> -> memref<128xi32, #tpu.memory_space<vmem>>
    %dma_start3A_123 = arith.constant 0 : i32
    %dma_start3A_124 = arith.constant 0 : i32
    %dma_start3A_125 = tpu.memref_slice %arg8[%dma_start3A_123, %dma_start3A_124] : memref<512x128xf32, #tpu.memory_space<vmem_shared>> -> memref<512x128xf32, #tpu.memory_space<vmem_shared>>
    tpu.enqueue_indirect_dma source(%dma_start3A_119 : memref<128x128xf32, #tpu.memory_space<vmem>>) target(%dma_start3A_125 : memref<512x128xf32, #tpu.memory_space<vmem_shared>>) offsets(%dma_start3A_122 : memref<128xi32, #tpu.memory_space<vmem>>) semaphore(%arg13 : memref<!tpu.dma_semaphore, #tpu.memory_space<semaphore_mem>>) {add = true}
    %dma_wait3A_126 = arith.constant 1 : i32
    %dma_wait3A_127 = arith.constant 0 : i32
    %dma_wait3A_128 = arith.constant 1 : i32
    %dma_wait3A_129 = arith.constant 0 : i32
    %dma_wait3A_130 = arith.constant 0 : i32
    %dma_wait3A_131 = tpu.memref_slice %arg6[%dma_wait3A_128, %dma_wait3A_129, %dma_wait3A_130] : memref<2x128x128xf32, #tpu.memory_space<vmem>> -> memref<1x128x128xf32, #tpu.memory_space<vmem>>
    %dma_wait3A_132 = tpu.memref_squeeze %dma_wait3A_131 : memref<1x128x128xf32, #tpu.memory_space<vmem>> -> memref<128x128xf32, #tpu.memory_space<vmem>>
    %dma_wait3A_133 = arith.constant 0 : i32
    %dma_wait3A_134 = tpu.memref_slice %arg5[%dma_wait3A_126, %dma_wait3A_127, %dma_wait3A_133] : memref<2x2x128xi32, #tpu.memory_space<vmem>> -> memref<1x1x128xi32, #tpu.memory_space<vmem>>
    %dma_wait3A_135 = tpu.memref_squeeze %dma_wait3A_134 : memref<1x1x128xi32, #tpu.memory_space<vmem>> -> memref<128xi32, #tpu.memory_space<vmem>>
    %dma_wait3A_136 = arith.constant 0 : i32
    %dma_wait3A_137 = arith.constant 0 : i32
    %dma_wait3A_138 = tpu.memref_slice %arg2[%dma_wait3A_136, %dma_wait3A_137] : memref<512x128xf32, #tpu.memory_space<hbm>> -> memref<512x128xf32, #tpu.memory_space<hbm>>
    tpu.wait_indirect_dma semaphore(%arg12 : memref<!tpu.dma_semaphore, #tpu.memory_space<semaphore_mem>>) src(%dma_wait3A_138 : memref<512x128xf32, #tpu.memory_space<hbm>>) dst(%dma_wait3A_132 : memref<128x128xf32, #tpu.memory_space<vmem>>)
    %dma_start3A_139 = arith.constant 1 : i32
    %dma_start3A_140 = arith.constant 1 : i32
    %dma_start3A_141 = arith.constant 1 : i32
    %dma_start3A_142 = arith.constant 0 : i32
    %dma_start3A_143 = arith.constant 0 : i32
    %dma_start3A_144 = tpu.memref_slice %arg6[%dma_start3A_139, %dma_start3A_142, %dma_start3A_143] : memref<2x128x128xf32, #tpu.memory_space<vmem>> -> memref<1x128x128xf32, #tpu.memory_space<vmem>>
    %dma_start3A_145 = tpu.memref_squeeze %dma_start3A_144 : memref<1x128x128xf32, #tpu.memory_space<vmem>> -> memref<128x128xf32, #tpu.memory_space<vmem>>
    %dma_start3A_146 = arith.constant 0 : i32
    %dma_start3A_147 = tpu.memref_slice %arg5[%dma_start3A_140, %dma_start3A_141, %dma_start3A_146] : memref<2x2x128xi32, #tpu.memory_space<vmem>> -> memref<1x1x128xi32, #tpu.memory_space<vmem>>
    %dma_start3A_148 = tpu.memref_squeeze %dma_start3A_147 : memref<1x1x128xi32, #tpu.memory_space<vmem>> -> memref<128xi32, #tpu.memory_space<vmem>>
    %dma_start3A_149 = arith.constant 0 : i32
    %dma_start3A_150 = arith.constant 0 : i32
    %dma_start3A_151 = tpu.memref_slice %arg8[%dma_start3A_149, %dma_start3A_150] : memref<512x128xf32, #tpu.memory_space<vmem_shared>> -> memref<512x128xf32, #tpu.memory_space<vmem_shared>>
    tpu.enqueue_indirect_dma source(%dma_start3A_145 : memref<128x128xf32, #tpu.memory_space<vmem>>) target(%dma_start3A_151 : memref<512x128xf32, #tpu.memory_space<vmem_shared>>) offsets(%dma_start3A_148 : memref<128xi32, #tpu.memory_space<vmem>>) semaphore(%arg13 : memref<!tpu.dma_semaphore, #tpu.memory_space<semaphore_mem>>) {add = true}
    %dma_wait3A_152 = arith.constant 0 : i32
    %dma_wait3A_153 = arith.constant 0 : i32
    %dma_wait3A_154 = arith.constant 1 : i32
    %dma_wait3A_155 = arith.constant 0 : i32
    %dma_wait3A_156 = arith.constant 0 : i32
    %dma_wait3A_157 = tpu.memref_slice %arg6[%dma_wait3A_152, %dma_wait3A_155, %dma_wait3A_156] : memref<2x128x128xf32, #tpu.memory_space<vmem>> -> memref<1x128x128xf32, #tpu.memory_space<vmem>>
    %dma_wait3A_158 = tpu.memref_squeeze %dma_wait3A_157 : memref<1x128x128xf32, #tpu.memory_space<vmem>> -> memref<128x128xf32, #tpu.memory_space<vmem>>
    %dma_wait3A_159 = arith.constant 0 : i32
    %dma_wait3A_160 = tpu.memref_slice %arg5[%dma_wait3A_153, %dma_wait3A_154, %dma_wait3A_159] : memref<2x2x128xi32, #tpu.memory_space<vmem>> -> memref<1x1x128xi32, #tpu.memory_space<vmem>>
    %dma_wait3A_161 = tpu.memref_squeeze %dma_wait3A_160 : memref<1x1x128xi32, #tpu.memory_space<vmem>> -> memref<128xi32, #tpu.memory_space<vmem>>
    %dma_wait3A_162 = arith.constant 0 : i32
    %dma_wait3A_163 = arith.constant 0 : i32
    %dma_wait3A_164 = tpu.memref_slice %arg8[%dma_wait3A_162, %dma_wait3A_163] : memref<512x128xf32, #tpu.memory_space<vmem_shared>> -> memref<512x128xf32, #tpu.memory_space<vmem_shared>>
    tpu.wait_indirect_dma semaphore(%arg13 : memref<!tpu.dma_semaphore, #tpu.memory_space<semaphore_mem>>) src(%dma_wait3A_158 : memref<128x128xf32, #tpu.memory_space<vmem>>) dst(%dma_wait3A_164 : memref<512x128xf32, #tpu.memory_space<vmem_shared>>)
    %dma_wait3A_165 = arith.constant 1 : i32
    %dma_wait3A_166 = arith.constant 1 : i32
    %dma_wait3A_167 = arith.constant 1 : i32
    %dma_wait3A_168 = arith.constant 0 : i32
    %dma_wait3A_169 = arith.constant 0 : i32
    %dma_wait3A_170 = tpu.memref_slice %arg6[%dma_wait3A_165, %dma_wait3A_168, %dma_wait3A_169] : memref<2x128x128xf32, #tpu.memory_space<vmem>> -> memref<1x128x128xf32, #tpu.memory_space<vmem>>
    %dma_wait3A_171 = tpu.memref_squeeze %dma_wait3A_170 : memref<1x128x128xf32, #tpu.memory_space<vmem>> -> memref<128x128xf32, #tpu.memory_space<vmem>>
    %dma_wait3A_172 = arith.constant 0 : i32
    %dma_wait3A_173 = tpu.memref_slice %arg5[%dma_wait3A_166, %dma_wait3A_167, %dma_wait3A_172] : memref<2x2x128xi32, #tpu.memory_space<vmem>> -> memref<1x1x128xi32, #tpu.memory_space<vmem>>
    %dma_wait3A_174 = tpu.memref_squeeze %dma_wait3A_173 : memref<1x1x128xi32, #tpu.memory_space<vmem>> -> memref<128xi32, #tpu.memory_space<vmem>>
    %dma_wait3A_175 = arith.constant 0 : i32
    %dma_wait3A_176 = arith.constant 0 : i32
    %dma_wait3A_177 = tpu.memref_slice %arg8[%dma_wait3A_175, %dma_wait3A_176] : memref<512x128xf32, #tpu.memory_space<vmem_shared>> -> memref<512x128xf32, #tpu.memory_space<vmem_shared>>
    tpu.wait_indirect_dma semaphore(%arg13 : memref<!tpu.dma_semaphore, #tpu.memory_space<semaphore_mem>>) src(%dma_wait3A_171 : memref<128x128xf32, #tpu.memory_space<vmem>>) dst(%dma_wait3A_177 : memref<512x128xf32, #tpu.memory_space<vmem_shared>>)
    %barrier3A_178 = arith.constant 0 : index
    tpu.barrier barrier_id(%barrier3A_178)
    %dma_start3A_179 = arith.constant 0 : i32
    %dma_start3A_180 = tpu.memref_slice %arg4[%arg0, %mul3A_2, %dma_start3A_179] : memref<2x512x128xf32, #tpu.memory_space<hbm>> -> memref<1x32x128xf32, #tpu.memory_space<hbm>>
    %dma_start3A_181 = tpu.memref_squeeze %dma_start3A_180 : memref<1x32x128xf32, #tpu.memory_space<hbm>> -> memref<32x128xf32, #tpu.memory_space<hbm>>
    %dma_start3A_182 = arith.constant 0 : i32
    %dma_start3A_183 = tpu.memref_slice %arg8[%mul3A_2, %dma_start3A_182] : memref<512x128xf32, #tpu.memory_space<vmem_shared>> -> memref<32x128xf32, #tpu.memory_space<vmem_shared>>
    tpu.enqueue_dma source(%dma_start3A_183 : memref<32x128xf32, #tpu.memory_space<vmem_shared>>) target(%dma_start3A_181 : memref<32x128xf32, #tpu.memory_space<hbm>>) target_semaphore(%arg14 : memref<!tpu.dma_semaphore, #tpu.memory_space<semaphore_mem>>)
    %dma_wait3A_184 = arith.constant 0 : i32
    %dma_wait3A_185 = tpu.memref_slice %arg4[%arg0, %mul3A_2, %dma_wait3A_184] : memref<2x512x128xf32, #tpu.memory_space<hbm>> -> memref<1x32x128xf32, #tpu.memory_space<hbm>>
    %dma_wait3A_186 = tpu.memref_squeeze %dma_wait3A_185 : memref<1x32x128xf32, #tpu.memory_space<hbm>> -> memref<32x128xf32, #tpu.memory_space<hbm>>
    %dma_wait3A_187 = arith.constant 0 : i32
    %dma_wait3A_188 = tpu.memref_slice %arg8[%mul3A_2, %dma_wait3A_187] : memref<512x128xf32, #tpu.memory_space<vmem_shared>> -> memref<32x128xf32, #tpu.memory_space<vmem_shared>>
    tpu.wait_dma2 semaphore(%arg14 : memref<!tpu.dma_semaphore, #tpu.memory_space<semaphore_mem>>) src(%dma_wait3A_188 : memref<32x128xf32, #tpu.memory_space<vmem_shared>>) dst(%dma_wait3A_186 : memref<32x128xf32, #tpu.memory_space<hbm>>)
    return
  }
}

module attributes {stable_mosaic.version = 14 : i64} {
  func.func @_dense_first_body(%arg0: memref<2x512x128xf32, #tpu.memory_space<vmem>>, %arg1: memref<2x512x128xf32, #tpu.memory_space<vmem>>, %arg2: memref<512x128xf32, #tpu.memory_space<vmem>>, %arg3: memref<128x128xf32, #tpu.memory_space<vmem>>, %arg4: memref<1x128xf32, #tpu.memory_space<vmem>>, %arg5: memref<128x128xf32, #tpu.memory_space<vmem>>, %arg6: memref<512x128xf32, #tpu.memory_space<vmem>>, %arg7: memref<512x1xf32, #tpu.memory_space<vmem>>) attributes {dimension_semantics = [], scalar_prefetch = 0 : i64, scratch_operands = 0 : i64, tpu.core_type = #tpu.core_type<tc>} {
    %get3A = arith.constant 0 : index
    %get3A_0 = arith.constant 0 : index
    %get3A_1 = arith.constant 0 : index
    %get3A_2 = vector.load %arg1[%get3A, %get3A_0, %get3A_1] : memref<2x512x128xf32, #tpu.memory_space<vmem>>, vector<1x512x1xf32>
    %get3A_3 = vector.shape_cast %get3A_2 : vector<1x512x1xf32> to vector<512x1xf32>
    %get3A_4 = arith.constant 1 : index
    %get3A_5 = arith.constant 0 : index
    %get3A_6 = arith.constant 0 : index
    %get3A_7 = vector.load %arg1[%get3A_4, %get3A_5, %get3A_6] : memref<2x512x128xf32, #tpu.memory_space<vmem>>, vector<1x512x1xf32>
    %get3A_8 = vector.shape_cast %get3A_7 : vector<1x512x1xf32> to vector<512x1xf32>
    %add3A = arith.addf %get3A_3, %get3A_8 : vector<512x1xf32>
    %max3A = arith.constant 1.000000e+00 : f32
    %max3A_9 = vector.broadcast %max3A : f32 to vector<512x1xf32>
    %max3A_10 = arith.maximumf %add3A, %max3A_9 : vector<512x1xf32>
    %swap3A = arith.constant 0 : index
    %swap3A_11 = arith.constant 0 : index
    %swap3A_12 = vector.load %arg7[%swap3A, %swap3A_11] : memref<512x1xf32, #tpu.memory_space<vmem>>, vector<512x1xf32>
    tpu.vector_store %arg7[%swap3A, %swap3A_11], %max3A_10 {strides = array<i32>} : memref<512x1xf32, #tpu.memory_space<vmem>>, vector<512x1xf32>,
    %get3A_13 = arith.constant 0 : index
    %get3A_14 = arith.constant 0 : index
    %get3A_15 = arith.constant 0 : index
    %get3A_16 = vector.load %arg0[%get3A_13, %get3A_14, %get3A_15] : memref<2x512x128xf32, #tpu.memory_space<vmem>>, vector<1x512x128xf32>
    %get3A_17 = vector.shape_cast %get3A_16 : vector<1x512x128xf32> to vector<512x128xf32>
    %get3A_18 = arith.constant 1 : index
    %get3A_19 = arith.constant 0 : index
    %get3A_20 = arith.constant 0 : index
    %get3A_21 = vector.load %arg0[%get3A_18, %get3A_19, %get3A_20] : memref<2x512x128xf32, #tpu.memory_space<vmem>>, vector<1x512x128xf32>
    %get3A_22 = vector.shape_cast %get3A_21 : vector<1x512x128xf32> to vector<512x128xf32>
    %add3A_23 = arith.addf %get3A_17, %get3A_22 : vector<512x128xf32>
    %div3A = vector.broadcast %max3A_10 : vector<512x1xf32> to vector<512x128xf32>
    %div3A_24 = arith.divf %add3A_23, %div3A : vector<512x128xf32>
    %get3A_25 = arith.constant 0 : index
    %get3A_26 = arith.constant 0 : index
    %get3A_27 = vector.load %arg3[%get3A_25, %get3A_26] : memref<128x128xf32, #tpu.memory_space<vmem>>, vector<128x128xf32>
    %dot_general3A = arith.constant dense<0.000000e+00> : vector<512x128xf32>
    %dot_general3A_28 = tpu.matmul %div3A_24, %get3A_27, %dot_general3A {dimension_numbers = #tpu.dot_dimension_numbers<[1], [1], [0], [0], [0, 0, 1, 0], [], []>, transpose_lhs_hint = false} : vector<512x128xf32>, vector<128x128xf32>, vector<512x128xf32> -> vector<512x128xf32>
    %get3A_29 = arith.constant 0 : index
    %get3A_30 = arith.constant 0 : index
    %get3A_31 = vector.load %arg4[%get3A_29, %get3A_30] : memref<1x128xf32, #tpu.memory_space<vmem>>, vector<1x128xf32>
    %add3A_32 = vector.broadcast %get3A_31 : vector<1x128xf32> to vector<512x128xf32>
    %add3A_33 = arith.addf %dot_general3A_28, %add3A_32 : vector<512x128xf32>
    %get3A_34 = arith.constant 0 : index
    %get3A_35 = arith.constant 0 : index
    %get3A_36 = vector.load %arg2[%get3A_34, %get3A_35] : memref<512x128xf32, #tpu.memory_space<vmem>>, vector<512x128xf32>
    %get3A_37 = arith.constant 0 : index
    %get3A_38 = arith.constant 0 : index
    %get3A_39 = vector.load %arg5[%get3A_37, %get3A_38] : memref<128x128xf32, #tpu.memory_space<vmem>>, vector<128x128xf32>
    %dot_general3A_40 = arith.constant dense<0.000000e+00> : vector<512x128xf32>
    %dot_general3A_41 = tpu.matmul %get3A_36, %get3A_39, %dot_general3A_40 {dimension_numbers = #tpu.dot_dimension_numbers<[1], [1], [0], [0], [0, 0, 1, 0], [], []>, transpose_lhs_hint = false} : vector<512x128xf32>, vector<128x128xf32>, vector<512x128xf32> -> vector<512x128xf32>
    %add3A_42 = arith.addf %add3A_33, %dot_general3A_41 : vector<512x128xf32>
    %tanh3A = math.tanh %add3A_42 : vector<512x128xf32>
    %swap3A_43 = arith.constant 0 : index
    %swap3A_44 = arith.constant 0 : index
    %swap3A_45 = vector.load %arg6[%swap3A_43, %swap3A_44] : memref<512x128xf32, #tpu.memory_space<vmem>>, vector<512x128xf32>
    tpu.vector_store %arg6[%swap3A_43, %swap3A_44], %tanh3A {strides = array<i32>} : memref<512x128xf32, #tpu.memory_space<vmem>>, vector<512x128xf32>,
    return
  }
}

module attributes {stable_mosaic.version = 14 : i64} {
  func.func @_final_body(%arg0: memref<2x512x128xf32, #tpu.memory_space<vmem>>, %arg1: memref<512x1xf32, #tpu.memory_space<vmem>>, %arg2: memref<512x128xf32, #tpu.memory_space<vmem>>, %arg3: memref<128x128xf32, #tpu.memory_space<vmem>>, %arg4: memref<1x128xf32, #tpu.memory_space<vmem>>, %arg5: memref<128x128xf32, #tpu.memory_space<vmem>>, %arg6: memref<128x128xf32, #tpu.memory_space<vmem>>, %arg7: memref<1x128xf32, #tpu.memory_space<vmem>>, %arg8: memref<128x128xf32, #tpu.memory_space<vmem>>, %arg9: memref<1x256xf32, #tpu.memory_space<vmem>>, %arg10: memref<1x128xf32, #tpu.memory_space<vmem>>, %arg11: memref<1x1xf32, #tpu.memory_space<vmem>>, %arg12: memref<512x128xf32, #tpu.memory_space<vmem>>, %arg13: memref<2048x4xf32, #tpu.memory_space<vmem>>, %arg14: memref<2048x128xf32, #tpu.memory_space<vmem>>, %arg15: memref<1x1xf32, #tpu.memory_space<vmem>>) attributes {dimension_semantics = [], scalar_prefetch = 0 : i64, scratch_operands = 0 : i64, tpu.core_type = #tpu.core_type<tc>} {
    %get3A = arith.constant 0 : index
    %get3A_0 = arith.constant 0 : index
    %get3A_1 = arith.constant 0 : index
    %get3A_2 = vector.load %arg0[%get3A, %get3A_0, %get3A_1] : memref<2x512x128xf32, #tpu.memory_space<vmem>>, vector<1x512x128xf32>
    %get3A_3 = vector.shape_cast %get3A_2 : vector<1x512x128xf32> to vector<512x128xf32>
    %get3A_4 = arith.constant 1 : index
    %get3A_5 = arith.constant 0 : index
    %get3A_6 = arith.constant 0 : index
    %get3A_7 = vector.load %arg0[%get3A_4, %get3A_5, %get3A_6] : memref<2x512x128xf32, #tpu.memory_space<vmem>>, vector<1x512x128xf32>
    %get3A_8 = vector.shape_cast %get3A_7 : vector<1x512x128xf32> to vector<512x128xf32>
    %add3A = arith.addf %get3A_3, %get3A_8 : vector<512x128xf32>
    %get3A_9 = arith.constant 0 : index
    %get3A_10 = arith.constant 0 : index
    %get3A_11 = vector.load %arg1[%get3A_9, %get3A_10] : memref<512x1xf32, #tpu.memory_space<vmem>>, vector<512x1xf32>
    %div3A = vector.broadcast %get3A_11 : vector<512x1xf32> to vector<512x128xf32>
    %div3A_12 = arith.divf %add3A, %div3A : vector<512x128xf32>
    %get3A_13 = arith.constant 0 : index
    %get3A_14 = arith.constant 0 : index
    %get3A_15 = vector.load %arg2[%get3A_13, %get3A_14] : memref<512x128xf32, #tpu.memory_space<vmem>>, vector<512x128xf32>
    %get3A_16 = arith.constant 0 : index
    %get3A_17 = arith.constant 0 : index
    %get3A_18 = vector.load %arg3[%get3A_16, %get3A_17] : memref<128x128xf32, #tpu.memory_space<vmem>>, vector<128x128xf32>
    %dot_general3A = arith.constant dense<0.000000e+00> : vector<512x128xf32>
    %dot_general3A_19 = tpu.matmul %div3A_12, %get3A_18, %dot_general3A {dimension_numbers = #tpu.dot_dimension_numbers<[1], [1], [0], [0], [0, 0, 1, 0], [], []>, transpose_lhs_hint = false} : vector<512x128xf32>, vector<128x128xf32>, vector<512x128xf32> -> vector<512x128xf32>
    %get3A_20 = arith.constant 0 : index
    %get3A_21 = arith.constant 0 : index
    %get3A_22 = vector.load %arg4[%get3A_20, %get3A_21] : memref<1x128xf32, #tpu.memory_space<vmem>>, vector<1x128xf32>
    %add3A_23 = vector.broadcast %get3A_22 : vector<1x128xf32> to vector<512x128xf32>
    %add3A_24 = arith.addf %dot_general3A_19, %add3A_23 : vector<512x128xf32>
    %get3A_25 = arith.constant 0 : index
    %get3A_26 = arith.constant 0 : index
    %get3A_27 = vector.load %arg5[%get3A_25, %get3A_26] : memref<128x128xf32, #tpu.memory_space<vmem>>, vector<128x128xf32>
    %dot_general3A_28 = arith.constant dense<0.000000e+00> : vector<512x128xf32>
    %dot_general3A_29 = tpu.matmul %get3A_15, %get3A_27, %dot_general3A_28 {dimension_numbers = #tpu.dot_dimension_numbers<[1], [1], [0], [0], [0, 0, 1, 0], [], []>, transpose_lhs_hint = false} : vector<512x128xf32>, vector<128x128xf32>, vector<512x128xf32> -> vector<512x128xf32>
    %add3A_30 = arith.addf %add3A_24, %dot_general3A_29 : vector<512x128xf32>
    %get3A_31 = arith.constant 0 : index
    %get3A_32 = arith.constant 0 : index
    %get3A_33 = vector.load %arg6[%get3A_31, %get3A_32] : memref<128x128xf32, #tpu.memory_space<vmem>>, vector<128x128xf32>
    %dot_general3A_34 = arith.constant dense<0.000000e+00> : vector<512x128xf32>
    %dot_general3A_35 = tpu.matmul %div3A_12, %get3A_33, %dot_general3A_34 {dimension_numbers = #tpu.dot_dimension_numbers<[1], [1], [0], [0], [0, 0, 1, 0], [], []>, transpose_lhs_hint = false} : vector<512x128xf32>, vector<128x128xf32>, vector<512x128xf32> -> vector<512x128xf32>
    %get3A_36 = arith.constant 0 : index
    %get3A_37 = arith.constant 0 : index
    %get3A_38 = vector.load %arg7[%get3A_36, %get3A_37] : memref<1x128xf32, #tpu.memory_space<vmem>>, vector<1x128xf32>
    %add3A_39 = vector.broadcast %get3A_38 : vector<1x128xf32> to vector<512x128xf32>
    %add3A_40 = arith.addf %dot_general3A_35, %add3A_39 : vector<512x128xf32>
    %get3A_41 = arith.constant 0 : index
    %get3A_42 = arith.constant 0 : index
    %get3A_43 = vector.load %arg8[%get3A_41, %get3A_42] : memref<128x128xf32, #tpu.memory_space<vmem>>, vector<128x128xf32>
    %dot_general3A_44 = arith.constant dense<0.000000e+00> : vector<512x128xf32>
    %dot_general3A_45 = tpu.matmul %get3A_15, %get3A_43, %dot_general3A_44 {dimension_numbers = #tpu.dot_dimension_numbers<[1], [1], [0], [0], [0, 0, 1, 0], [], []>, transpose_lhs_hint = false} : vector<512x128xf32>, vector<128x128xf32>, vector<512x128xf32> -> vector<512x128xf32>
    %add3A_46 = arith.addf %add3A_40, %dot_general3A_45 : vector<512x128xf32>
    %get3A_47 = arith.constant 0 : index
    %get3A_48 = arith.constant 0 : index
    %get3A_49 = vector.load %arg9[%get3A_47, %get3A_48] : memref<1x256xf32, #tpu.memory_space<vmem>>, vector<1x256xf32>
    %slice3A = vector.extract_strided_slice %get3A_49 {offsets = [0, 0], sizes = [1, 128], strides = [1, 1]} : vector<1x256xf32> to vector<1x128xf32>
    %dot_general3A_50 = arith.constant dense<0.000000e+00> : vector<512x1xf32>
    %dot_general3A_51 = tpu.matmul %add3A_30, %slice3A, %dot_general3A_50 {dimension_numbers = #tpu.dot_dimension_numbers<[1], [1], [0], [0], [0, 0, 1, 0], [], []>, transpose_lhs_hint = false} : vector<512x128xf32>, vector<1x128xf32>, vector<512x1xf32> -> vector<512x1xf32>
    %slice3A_52 = vector.extract_strided_slice %get3A_49 {offsets = [0, 128], sizes = [1, 128], strides = [1, 1]} : vector<1x256xf32> to vector<1x128xf32>
    %slice3A_53 = vector.extract_strided_slice %add3A_30 {offsets = [0, 0], sizes = [128, 128], strides = [1, 1]} : vector<512x128xf32> to vector<128x128xf32>
    %dot_general3A_54 = arith.constant dense<0.000000e+00> : vector<1x128xf32>
    %dot_general3A_55 = tpu.matmul %slice3A_52, %slice3A_53, %dot_general3A_54 {dimension_numbers = #tpu.dot_dimension_numbers<[1], [1], [0], [0], [0, 0, 1, 0], [], []>, transpose_lhs_hint = false} : vector<1x128xf32>, vector<128x128xf32>, vector<1x128xf32> -> vector<1x128xf32>
    %slice3A_56 = vector.extract_strided_slice %get3A_49 {offsets = [0, 128], sizes = [1, 128], strides = [1, 1]} : vector<1x256xf32> to vector<1x128xf32>
    %slice3A_57 = vector.extract_strided_slice %add3A_30 {offsets = [128, 0], sizes = [128, 128], strides = [1, 1]} : vector<512x128xf32> to vector<128x128xf32>
    %dot_general3A_58 = arith.constant dense<0.000000e+00> : vector<1x128xf32>
    %dot_general3A_59 = tpu.matmul %slice3A_56, %slice3A_57, %dot_general3A_58 {dimension_numbers = #tpu.dot_dimension_numbers<[1], [1], [0], [0], [0, 0, 1, 0], [], []>, transpose_lhs_hint = false} : vector<1x128xf32>, vector<128x128xf32>, vector<1x128xf32> -> vector<1x128xf32>
    %slice3A_60 = vector.extract_strided_slice %get3A_49 {offsets = [0, 128], sizes = [1, 128], strides = [1, 1]} : vector<1x256xf32> to vector<1x128xf32>
    %slice3A_61 = vector.extract_strided_slice %add3A_30 {offsets = [256, 0], sizes = [128, 128], strides = [1, 1]} : vector<512x128xf32> to vector<128x128xf32>
    %dot_general3A_62 = arith.constant dense<0.000000e+00> : vector<1x128xf32>
    %dot_general3A_63 = tpu.matmul %slice3A_60, %slice3A_61, %dot_general3A_62 {dimension_numbers = #tpu.dot_dimension_numbers<[1], [1], [0], [0], [0, 0, 1, 0], [], []>, transpose_lhs_hint = false} : vector<1x128xf32>, vector<128x128xf32>, vector<1x128xf32> -> vector<1x128xf32>
    %slice3A_64 = vector.extract_strided_slice %get3A_49 {offsets = [0, 128], sizes = [1, 128], strides = [1, 1]} : vector<1x256xf32> to vector<1x128xf32>
    %slice3A_65 = vector.extract_strided_slice %add3A_30 {offsets = [384, 0], sizes = [128, 128], strides = [1, 1]} : vector<512x128xf32> to vector<128x128xf32>
    %dot_general3A_66 = arith.constant dense<0.000000e+00> : vector<1x128xf32>
    %dot_general3A_67 = tpu.matmul %slice3A_64, %slice3A_65, %dot_general3A_66 {dimension_numbers = #tpu.dot_dimension_numbers<[1], [1], [0], [0], [0, 0, 1, 0], [], []>, transpose_lhs_hint = false} : vector<1x128xf32>, vector<128x128xf32>, vector<1x128xf32> -> vector<1x128xf32>
    %concatenate3A = tpu.concatenate %dot_general3A_55, %dot_general3A_59, %dot_general3A_63, %dot_general3A_67 in 0 : vector<1x128xf32>, vector<1x128xf32>, vector<1x128xf32>, vector<1x128xf32> -> vector<4x128xf32>
    %get3A_68 = arith.constant 0 : index
    %get3A_69 = arith.constant 0 : index
    %get3A_70 = vector.load %arg10[%get3A_68, %get3A_69] : memref<1x128xf32, #tpu.memory_space<vmem>>, vector<1x128xf32>
    %dot_general3A_71 = arith.constant dense<0.000000e+00> : vector<512x1xf32>
    %dot_general3A_72 = tpu.matmul %add3A_46, %get3A_70, %dot_general3A_71 {dimension_numbers = #tpu.dot_dimension_numbers<[1], [1], [0], [0], [0, 0, 1, 0], [], []>, transpose_lhs_hint = false} : vector<512x128xf32>, vector<1x128xf32>, vector<512x1xf32> -> vector<512x1xf32>
    %reduce_max3A = vector.shape_cast %dot_general3A_51 : vector<512x1xf32> to vector<1x512x1xf32>
    %reduce_max3A_73 = arith.constant dense<0xFF800000> : vector<1xf32>
    %reduce_max3A_74 = vector.multi_reduction <maximumf>, %reduce_max3A, %reduce_max3A_73 [1, 2] : vector<1x512x1xf32> to vector<1xf32>
    %reduce_max3A_75 = vector.shape_cast %reduce_max3A_74 : vector<1xf32> to vector<1x1x1xf32>
    %reduce_max3A_76 = vector.extract %reduce_max3A_75[0, 0, 0] : f32 from vector<1x1x1xf32>
    %reduce_max3A_77 = vector.shape_cast %concatenate3A : vector<4x128xf32> to vector<1x4x128xf32>
    %reduce_max3A_78 = arith.constant dense<0xFF800000> : vector<1xf32>
    %reduce_max3A_79 = vector.multi_reduction <maximumf>, %reduce_max3A_77, %reduce_max3A_78 [1, 2] : vector<1x4x128xf32> to vector<1xf32>
    %reduce_max3A_80 = vector.shape_cast %reduce_max3A_79 : vector<1xf32> to vector<1x1x1xf32>
    %reduce_max3A_81 = vector.extract %reduce_max3A_80[0, 0, 0] : f32 from vector<1x1x1xf32>
    %add3A_82 = arith.addf %reduce_max3A_76, %reduce_max3A_81 : f32
    %sub3A = vector.broadcast %reduce_max3A_76 : f32 to vector<512x1xf32>
    %sub3A_83 = arith.subf %dot_general3A_51, %sub3A : vector<512x1xf32>
    %exp3A = math.exp %sub3A_83 : vector<512x1xf32>
    %reduce_sum3A = vector.shape_cast %exp3A : vector<512x1xf32> to vector<1x512x1xf32>
    %reduce_sum3A_84 = arith.constant dense<0.000000e+00> : vector<1xf32>
    %reduce_sum3A_85 = vector.multi_reduction <add>, %reduce_sum3A, %reduce_sum3A_84 [1, 2] : vector<1x512x1xf32> to vector<1xf32>
    %reduce_sum3A_86 = vector.shape_cast %reduce_sum3A_85 : vector<1xf32> to vector<1x1x1xf32>
    %reduce_sum3A_87 = vector.extract %reduce_sum3A_86[0, 0, 0] : f32 from vector<1x1x1xf32>
    %log3A = math.log %reduce_sum3A_87 : f32
    %add3A_88 = arith.addf %add3A_82, %log3A : f32
    %sub3A_89 = vector.broadcast %reduce_max3A_81 : f32 to vector<4x128xf32>
    %sub3A_90 = arith.subf %concatenate3A, %sub3A_89 : vector<4x128xf32>
    %exp3A_91 = math.exp %sub3A_90 : vector<4x128xf32>
    %reduce_sum3A_92 = vector.shape_cast %exp3A_91 : vector<4x128xf32> to vector<1x4x128xf32>
    %reduce_sum3A_93 = arith.constant dense<0.000000e+00> : vector<1xf32>
    %reduce_sum3A_94 = vector.multi_reduction <add>, %reduce_sum3A_92, %reduce_sum3A_93 [1, 2] : vector<1x4x128xf32> to vector<1xf32>
    %reduce_sum3A_95 = vector.shape_cast %reduce_sum3A_94 : vector<1xf32> to vector<1x1x1xf32>
    %reduce_sum3A_96 = vector.extract %reduce_sum3A_95[0, 0, 0] : f32 from vector<1x1x1xf32>
    %log3A_97 = math.log %reduce_sum3A_96 : f32
    %add3A_98 = arith.addf %add3A_88, %log3A_97 : f32
    %sub3A_99 = vector.broadcast %add3A_98 : f32 to vector<512x1xf32>
    %sub3A_100 = arith.subf %dot_general3A_51, %sub3A_99 : vector<512x1xf32>
    %get3A_101 = arith.constant 0 : index
    %get3A_102 = arith.constant 0 : index
    %get3A_103 = vector.load %arg12[%get3A_101, %get3A_102] : memref<512x128xf32, #tpu.memory_space<vmem>>, vector<512x128xf32>
    %slice3A_104 = vector.extract_strided_slice %sub3A_100 {offsets = [0, 0], sizes = [128, 1], strides = [1, 1]} : vector<512x1xf32> to vector<128x1xf32>
    %dot_general3A_105 = arith.constant dense<0.000000e+00> : vector<512x1xf32>
    %dot_general3A_106 = tpu.matmul %get3A_103, %slice3A_104, %dot_general3A_105 {dimension_numbers = #tpu.dot_dimension_numbers<[1], [0], [0], [1], [0, 0, 1, 1], [], []>, precision = #tpu.contract_precision<fp32>, transpose_lhs_hint = false} : vector<512x128xf32>, vector<128x1xf32>, vector<512x1xf32> -> vector<512x1xf32>
    %get3A_107 = arith.constant 0 : index
    %get3A_108 = arith.constant 0 : index
    %get3A_109 = vector.load %arg12[%get3A_107, %get3A_108] : memref<512x128xf32, #tpu.memory_space<vmem>>, vector<512x128xf32>
    %slice3A_110 = vector.extract_strided_slice %sub3A_100 {offsets = [128, 0], sizes = [128, 1], strides = [1, 1]} : vector<512x1xf32> to vector<128x1xf32>
    %dot_general3A_111 = arith.constant dense<0.000000e+00> : vector<512x1xf32>
    %dot_general3A_112 = tpu.matmul %get3A_109, %slice3A_110, %dot_general3A_111 {dimension_numbers = #tpu.dot_dimension_numbers<[1], [0], [0], [1], [0, 0, 1, 1], [], []>, precision = #tpu.contract_precision<fp32>, transpose_lhs_hint = false} : vector<512x128xf32>, vector<128x1xf32>, vector<512x1xf32> -> vector<512x1xf32>
    %get3A_113 = arith.constant 0 : index
    %get3A_114 = arith.constant 0 : index
    %get3A_115 = vector.load %arg12[%get3A_113, %get3A_114] : memref<512x128xf32, #tpu.memory_space<vmem>>, vector<512x128xf32>
    %slice3A_116 = vector.extract_strided_slice %sub3A_100 {offsets = [256, 0], sizes = [128, 1], strides = [1, 1]} : vector<512x1xf32> to vector<128x1xf32>
    %dot_general3A_117 = arith.constant dense<0.000000e+00> : vector<512x1xf32>
    %dot_general3A_118 = tpu.matmul %get3A_115, %slice3A_116, %dot_general3A_117 {dimension_numbers = #tpu.dot_dimension_numbers<[1], [0], [0], [1], [0, 0, 1, 1], [], []>, precision = #tpu.contract_precision<fp32>, transpose_lhs_hint = false} : vector<512x128xf32>, vector<128x1xf32>, vector<512x1xf32> -> vector<512x1xf32>
    %get3A_119 = arith.constant 0 : index
    %get3A_120 = arith.constant 0 : index
    %get3A_121 = vector.load %arg12[%get3A_119, %get3A_120] : memref<512x128xf32, #tpu.memory_space<vmem>>, vector<512x128xf32>
    %slice3A_122 = vector.extract_strided_slice %sub3A_100 {offsets = [384, 0], sizes = [128, 1], strides = [1, 1]} : vector<512x1xf32> to vector<128x1xf32>
    %dot_general3A_123 = arith.constant dense<0.000000e+00> : vector<512x1xf32>
    %dot_general3A_124 = tpu.matmul %get3A_121, %slice3A_122, %dot_general3A_123 {dimension_numbers = #tpu.dot_dimension_numbers<[1], [0], [0], [1], [0, 0, 1, 1], [], []>, precision = #tpu.contract_precision<fp32>, transpose_lhs_hint = false} : vector<512x128xf32>, vector<128x1xf32>, vector<512x1xf32> -> vector<512x1xf32>
    %concatenate3A_125 = tpu.concatenate %dot_general3A_106, %dot_general3A_112, %dot_general3A_118, %dot_general3A_124 in 0 : vector<512x1xf32>, vector<512x1xf32>, vector<512x1xf32>, vector<512x1xf32> -> vector<2048x1xf32>
    %get3A_126 = arith.constant 0 : index
    %get3A_127 = arith.constant 0 : index
    %get3A_128 = vector.load %arg13[%get3A_126, %get3A_127] : memref<2048x4xf32, #tpu.memory_space<vmem>>, vector<2048x4xf32>
    %dot_general3A_129 = arith.constant dense<0.000000e+00> : vector<2048x128xf32>
    %dot_general3A_130 = tpu.matmul %get3A_128, %concatenate3A, %dot_general3A_129 {dimension_numbers = #tpu.dot_dimension_numbers<[1], [0], [0], [1], [0, 0, 1, 1], [], []>, precision = #tpu.contract_precision<fp32>, transpose_lhs_hint = false} : vector<2048x4xf32>, vector<4x128xf32>, vector<2048x128xf32> -> vector<2048x128xf32>
    %add3A_131 = vector.broadcast %concatenate3A_125 : vector<2048x1xf32> to vector<2048x128xf32>
    %add3A_132 = arith.addf %add3A_131, %dot_general3A_130 : vector<2048x128xf32>
    %swap3A = arith.constant 0 : index
    %swap3A_133 = arith.constant 0 : index
    %swap3A_134 = vector.load %arg14[%swap3A, %swap3A_133] : memref<2048x128xf32, #tpu.memory_space<vmem>>, vector<2048x128xf32>
    tpu.vector_store %arg14[%swap3A, %swap3A_133], %add3A_132 {strides = array<i32>} : memref<2048x128xf32, #tpu.memory_space<vmem>>, vector<2048x128xf32>,
    %reduce_sum3A_135 = vector.shape_cast %dot_general3A_72 : vector<512x1xf32> to vector<1x512x1xf32>
    %reduce_sum3A_136 = arith.constant dense<0.000000e+00> : vector<1xf32>
    %reduce_sum3A_137 = vector.multi_reduction <add>, %reduce_sum3A_135, %reduce_sum3A_136 [1, 2] : vector<1x512x1xf32> to vector<1xf32>
    %reduce_sum3A_138 = vector.shape_cast %reduce_sum3A_137 : vector<1xf32> to vector<1x1x1xf32>
    %reduce_sum3A_139 = vector.extract %reduce_sum3A_138[0, 0, 0] : f32 from vector<1x1x1xf32>
    %div3A_140 = arith.constant 5.120000e+02 : f32
    %div3A_141 = arith.divf %reduce_sum3A_139, %div3A_140 : f32
    %get3A_142 = arith.constant 0 : index
    %get3A_143 = arith.constant 0 : index
    %get3A_144 = vector.load %arg11[%get3A_142, %get3A_143] : memref<1x1xf32, #tpu.memory_space<vmem>>, vector<1x1xf32>
    %get3A_145 = vector.extract %get3A_144[0, 0] : f32 from vector<1x1xf32>
    %add3A_146 = arith.addf %div3A_141, %get3A_145 : f32
    %tanh3A = math.tanh %add3A_146 : f32
    %reshape3A = vector.broadcast %tanh3A : f32 to vector<1x1xf32>
    %swap3A_147 = arith.constant 0 : index
    %swap3A_148 = arith.constant 0 : index
    %swap3A_149 = vector.load %arg15[%swap3A_147, %swap3A_148] : memref<1x1xf32, #tpu.memory_space<vmem>>, vector<1x1xf32>
    tpu.vector_store %arg15[%swap3A_147, %swap3A_148], %reshape3A {strides = array<i32>} : memref<1x1xf32, #tpu.memory_space<vmem>>, vector<1x1xf32>,
    return
  }
}

module attributes {stable_mosaic.version = 14 : i64} {
  func.func @_dense_body(%arg0: memref<2x512x128xf32, #tpu.memory_space<vmem>>, %arg1: memref<512x1xf32, #tpu.memory_space<vmem>>, %arg2: memref<512x128xf32, #tpu.memory_space<vmem>>, %arg3: memref<128x128xf32, #tpu.memory_space<vmem>>, %arg4: memref<1x128xf32, #tpu.memory_space<vmem>>, %arg5: memref<128x128xf32, #tpu.memory_space<vmem>>, %arg6: memref<512x128xf32, #tpu.memory_space<vmem>>) attributes {dimension_semantics = [], scalar_prefetch = 0 : i64, scratch_operands = 0 : i64, tpu.core_type = #tpu.core_type<tc>} {
    %get3A = arith.constant 0 : index
    %get3A_0 = arith.constant 0 : index
    %get3A_1 = arith.constant 0 : index
    %get3A_2 = vector.load %arg0[%get3A, %get3A_0, %get3A_1] : memref<2x512x128xf32, #tpu.memory_space<vmem>>, vector<1x512x128xf32>
    %get3A_3 = vector.shape_cast %get3A_2 : vector<1x512x128xf32> to vector<512x128xf32>
    %get3A_4 = arith.constant 1 : index
    %get3A_5 = arith.constant 0 : index
    %get3A_6 = arith.constant 0 : index
    %get3A_7 = vector.load %arg0[%get3A_4, %get3A_5, %get3A_6] : memref<2x512x128xf32, #tpu.memory_space<vmem>>, vector<1x512x128xf32>
    %get3A_8 = vector.shape_cast %get3A_7 : vector<1x512x128xf32> to vector<512x128xf32>
    %add3A = arith.addf %get3A_3, %get3A_8 : vector<512x128xf32>
    %get3A_9 = arith.constant 0 : index
    %get3A_10 = arith.constant 0 : index
    %get3A_11 = vector.load %arg1[%get3A_9, %get3A_10] : memref<512x1xf32, #tpu.memory_space<vmem>>, vector<512x1xf32>
    %div3A = vector.broadcast %get3A_11 : vector<512x1xf32> to vector<512x128xf32>
    %div3A_12 = arith.divf %add3A, %div3A : vector<512x128xf32>
    %get3A_13 = arith.constant 0 : index
    %get3A_14 = arith.constant 0 : index
    %get3A_15 = vector.load %arg3[%get3A_13, %get3A_14] : memref<128x128xf32, #tpu.memory_space<vmem>>, vector<128x128xf32>
    %dot_general3A = arith.constant dense<0.000000e+00> : vector<512x128xf32>
    %dot_general3A_16 = tpu.matmul %div3A_12, %get3A_15, %dot_general3A {dimension_numbers = #tpu.dot_dimension_numbers<[1], [1], [0], [0], [0, 0, 1, 0], [], []>, transpose_lhs_hint = false} : vector<512x128xf32>, vector<128x128xf32>, vector<512x128xf32> -> vector<512x128xf32>
    %get3A_17 = arith.constant 0 : index
    %get3A_18 = arith.constant 0 : index
    %get3A_19 = vector.load %arg4[%get3A_17, %get3A_18] : memref<1x128xf32, #tpu.memory_space<vmem>>, vector<1x128xf32>
    %add3A_20 = vector.broadcast %get3A_19 : vector<1x128xf32> to vector<512x128xf32>
    %add3A_21 = arith.addf %dot_general3A_16, %add3A_20 : vector<512x128xf32>
    %get3A_22 = arith.constant 0 : index
    %get3A_23 = arith.constant 0 : index
    %get3A_24 = vector.load %arg2[%get3A_22, %get3A_23] : memref<512x128xf32, #tpu.memory_space<vmem>>, vector<512x128xf32>
    %get3A_25 = arith.constant 0 : index
    %get3A_26 = arith.constant 0 : index
    %get3A_27 = vector.load %arg5[%get3A_25, %get3A_26] : memref<128x128xf32, #tpu.memory_space<vmem>>, vector<128x128xf32>
    %dot_general3A_28 = arith.constant dense<0.000000e+00> : vector<512x128xf32>
    %dot_general3A_29 = tpu.matmul %get3A_24, %get3A_27, %dot_general3A_28 {dimension_numbers = #tpu.dot_dimension_numbers<[1], [1], [0], [0], [0, 0, 1, 0], [], []>, transpose_lhs_hint = false} : vector<512x128xf32>, vector<128x128xf32>, vector<512x128xf32> -> vector<512x128xf32>
    %add3A_30 = arith.addf %add3A_21, %dot_general3A_29 : vector<512x128xf32>
    %tanh3A = math.tanh %add3A_30 : vector<512x128xf32>
    %swap3A = arith.constant 0 : index
    %swap3A_31 = arith.constant 0 : index
    %swap3A_32 = vector.load %arg6[%swap3A, %swap3A_31] : memref<512x128xf32, #tpu.memory_space<vmem>>, vector<512x128xf32>
    tpu.vector_store %arg6[%swap3A, %swap3A_31], %tanh3A {strides = array<i32>} : memref<512x128xf32, #tpu.memory_space<vmem>>, vector<512x128xf32>,
    return
  }
}

</mosaic_0001>

<sc_bundles>
// kernel: sage_segment_sum.4.cloned.1.call-start
scs
__scs_entry_jumppad:
0x0: {  	(pc) =	sbr.rel $0x88, $3  }
0x1: {  	(tag) =	ssettag $0x0;
	lr =	simm.s32 $0x1  }
0x2: {  	[smem:$0x3F90] =	sst lr;
	_ =	strace $0xD0000000  }
0x3: {  	_ = 	snop  }
0x4: {  	_ = 	snop  }
0x5: {  	_ = 	snop  }
0x6: {  	_ = 	snop  }
0x7: {  	_ = 	snop  }
__scs_overlays_trampoline_lowered:
0x8: {  	[smem:$0x3F9F] =	sst s0  }
0x9: {  	[smem:$0x3FA0] =	sst s1  }
0xa: {  	[smem:$0x3FA1] =	sst s2  }
0xb: {  	[smem:$0x3FA2] =	sst s3  }
0xc: {  	[smem:$0x3FA3] =	sst s4  }
0xd: {  	[smem:$0x3FA4] =	sst s5  }
0xe: {  	[smem:$0x3FA5] =	sst s6  }
0xf: {  	[smem:$0x3FA6] =	sst s7  }
0x10: {  	[smem:$0x3FA7] =	sst s8  }
0x11: {  	[smem:$0x3FA8] =	sst s9;
	s0 =	simm.s32 @!p0 $0x0  }
0x12: {  	s1 =	sld [smem:$0x3F8E];
	s0 =	simm.s32 @p0 $0x1  }
0x13: {  	[smem:$0x3FA9] =	sst s0;
	s0 =	simm.s32 @!p1 $0x0  }
0x14: {  	s2 =	sld [smem:$0x3F8D];
	s0 =	simm.s32 @p1 $0x1  }
0x15: {  	[smem:$0x3FAA] =	sst s0;
	s0 =	simm.s32 @!p2 $0x0  }
0x16: {  	s3 =	sld [smem:$0x3FDB];
	s0 =	simm.s32 @p2 $0x1  }
0x17: {  	s4 =	simm.s32 $0x1BF5;
	[smem:$0x3FAC] =	sst s0  }
0x18: {  	s0 =	sld [smem:$0x3F8F];
	_ =	swait.ge [sflag:s4], $0x0  }
0x19: {  	s7 =	sld [smem:$0x3F90]  }
0x1a: {  	s8 =	sadd.s32 $0xFFFFE003, lr  }
0x1b: {  	s9 =	sadd.s32 $0xFFFFFEF7, lr;
	s5 =	simm.s32 $0xFFFFFFFF;
	p2 =	slt.u32 s8, $0xFFFFF086  }
0x1c: {  	p1 =	slt.u32 s9, $0xF7A;
	s5 =	simm.s32 @!p2 $0x0  }
0x1d: {  	s5 =	simm.s32 @p1 $0x1;
	p0 =	seq.s32 s7, s2  }
0x1e: {  	s7 =	smul.u32 @!p0 $0xF7A, s2;
	p2 =	seq.s32 @!p0 s5, $0x0  }
0x1f: {  	s9 =	smul.u32 $0xF7A, s1;
	s8 =	simm.s32 @!p0 $0x1BF5;
	p2 =	por !p2, p0  }
0x20: {  	[sflag:s8] =	ssyncset.s32 @!p0 $0xFFFFF086;
	s6 =	sadd.s32 @!p0 s3, s7;
	s7 =	simm.s32 @!p0 $0x108  }
0x21: {  	s3 =	sadd.s32 s3, s9;
	s6 =	sadd.s32 @!p0 $0x88, s6;
	s7 =	simm.s32 @p2 $0x1082  }
0x22: {  	[simem:s7], [sflag:s8] =	dma.local @!p0 [hbm:s6], $0xF7A  }
0x23: {  	s9 =	sor.u32 $0xD0000000, s2;
	s6 =	simm.s32 $0x108;
	_ =	swait.ge @!p0 [sflag:s8], $0x0  }
0x24: {  	s3 =	sadd.s32 $0x88, s3;
	s6 =	simm.s32 @!p1 $0x1082;
	[sflag:s4] =	ssyncset.s32 $0xFFFFF086  }
0x25: {  	[simem:s6], [sflag:s4] =	dma.local [hbm:s3], $0xF7A  }
0x26: {  	[smem:$0x3F90] =	sst s1;
	(tag) =	ssettag s2;
	_ =	strace s9  }
0x27: {  	s1 =	sld [smem:$0x3FA0]  }
0x28: {  	s2 =	sld [smem:$0x3FA1]  }
0x29: {  	s4 =	sld [smem:$0x3FA3]  }
0x2a: {  	p0 =	seq.s32 s5, $0x0;
	s5 =	sld [smem:$0x3FA4]  }
0x2b: {  	s6 =	sld [smem:$0x3FA5]  }
0x2c: {  	s7 =	sld [smem:$0x3FA6]  }
0x2d: {  	s3 =	simm.s32 $0x108;
	s8 =	sld [smem:$0x3FA7]  }
0x2e: {  	s3 =	simm.s32 @!p0 $0x1082;
	s9 =	sld [smem:$0x3FA8]  }
0x2f: {  	lr =	sadd.s32 s0, s3;
	s0 =	sld [smem:$0x3F9F]  }
0x30: {  	s3 =	sld [smem:$0x3FA2]  }
0x31: {  	[smem:$0x3FAB] =	sst s10  }
0x32: {  	s10 =	sld [smem:$0x3FA9];
	_ =	sdelay $0x3  }
0x33: {  	p0 =	seq.s32 s10, $0x1;
	s10 =	sld [smem:$0x3FAB];
	_ =	sdelay $0x3  }
0x34: {  	[smem:$0x3FAB] =	sst s10  }
0x35: {  	s10 =	sld [smem:$0x3FAA];
	_ =	sdelay $0x3  }
0x36: {  	p1 =	seq.s32 s10, $0x1;
	s10 =	sld [smem:$0x3FAB];
	_ =	sdelay $0x3  }
0x37: {  	[smem:$0x3FAB] =	sst s10  }
0x38: {  	s10 =	sld [smem:$0x3FAC]  }
0x39: {  	_ = 	snop;
	(pc) =	sbr.ind lr, $3  }
0x3a: {  	_ = 	snop  }
0x3b: {  	_ = 	snop  }
0x3c: {  	p2 =	seq.s32 s10, $0x1;
	s10 =	sld [smem:$0x3FAB]  }
0x3d: {  	_ =	shalt  }
0x3e: {  	_ =	shalt  }
0x3f: {  	_ =	shalt  }
0x40: {  	_ =	shalt  }
0x41: {  	_ =	shalt  }
0x42: {  	_ =	shalt  }
0x43: {  	_ =	shalt  }
0x44: {  	_ =	shalt  }
0x45: {  	_ =	shalt  }
0x46: {  	_ =	shalt  }
0x47: {  	_ =	shalt  }
0x48: {  	_ =	shalt  }
0x49: {  	_ =	shalt  }
0x4a: {  	_ =	shalt  }
0x4b: {  	_ =	shalt  }
0x4c: {  	_ =	shalt  }
0x4d: {  	_ =	shalt  }
0x4e: {  	_ =	shalt  }
0x4f: {  	_ =	shalt  }
0x50: {  	_ =	shalt  }
0x51: {  	_ =	shalt  }
0x52: {  	_ =	shalt  }
0x53: {  	_ =	shalt  }
0x54: {  	_ =	shalt  }
0x55: {  	_ =	shalt  }
0x56: {  	_ =	shalt  }
0x57: {  	_ =	shalt  }
0x58: {  	_ =	shalt  }
0x59: {  	_ =	shalt  }
0x5a: {  	_ =	shalt  }
0x5b: {  	_ =	shalt  }
0x5c: {  	_ =	shalt  }
0x5d: {  	_ =	shalt  }
0x5e: {  	_ =	shalt  }
0x5f: {  	_ =	shalt  }
0x60: {  	_ =	shalt  }
0x61: {  	_ =	shalt  }
0x62: {  	_ =	shalt  }
0x63: {  	_ =	shalt  }
0x64: {  	_ =	shalt  }
0x65: {  	_ =	shalt  }
0x66: {  	_ =	shalt  }
0x67: {  	_ =	shalt  }
0x68: {  	_ =	shalt  }
0x69: {  	_ =	shalt  }
0x6a: {  	_ =	shalt  }
0x6b: {  	_ =	shalt  }
0x6c: {  	_ =	shalt  }
0x6d: {  	_ =	shalt  }
0x6e: {  	_ =	shalt  }
0x6f: {  	_ =	shalt  }
0x70: {  	_ =	shalt  }
0x71: {  	_ =	shalt  }
0x72: {  	_ =	shalt  }
0x73: {  	_ =	shalt  }
0x74: {  	_ =	shalt  }
0x75: {  	_ =	shalt  }
0x76: {  	_ =	shalt  }
0x77: {  	_ =	shalt  }
0x78: {  	_ =	shalt  }
0x79: {  	_ =	shalt  }
0x7a: {  	_ =	shalt  }
0x7b: {  	_ =	shalt  }
0x7c: {  	_ =	shalt  }
0x7d: {  	_ =	shalt  }
0x7e: {  	_ =	shalt  }
0x7f: {  	_ =	shalt  }
0x80: {  	_ =	shalt  }
0x81: {  	_ =	shalt  }
0x82: {  	_ =	shalt  }
0x83: {  	_ =	shalt  }
0x84: {  	_ =	shalt  }
0x85: {  	_ =	shalt  }
0x86: {  	_ =	shalt  }
0x87: {  	_ =	shalt  }
.Lfunc_end0:
.L_simem_size_0:
called_computation.1_lowered:
.L_overlay_start_0:
0x88: {  	s2 =	sld [smem:$0x3FD9]  }
0x89: {  	s3 =	sld [smem:$0x3FFE];
	_ =	sdelay $0x1  }
0x8a: {  	s1 =	srdreg.scid  }
0x8b: {  	s0 =	sand.u32 $0x1, s1  }
0x8c: {  	s14 =	sshll.u32 s0, $0xA;
	s2 =	sadd.s32 s3, s2  }
0x8d: {  	s2 =	sadd.s32 s2, s14  }
0x8e: {  	[smem:$0x3FB7] =	sst s2  }
0x8f: {  	_ = 	snop  }
0x90: {  	s2 =	sld [smem:$0x3FD0];
	_ =	sdelay $0x2  }
0x91: {  	s4 =	simm.s32 $0xA;
	s5 =	simm.s32 $0x10;
	s15 =	sld [smem:$0x3FC8]  }
0x92: {  	[smem:s5], [sflag:s4] =	dma.local [hbm:s2], $0x1  }
0x93: {  	_ =	swait.eq [sflag:s4], $0x1  }
0x94: {  	[sflag:s4] =	ssyncset.done $0x0  }
0x95: {  	[sflag:s4] =	ssyncadd.s32 $0xFFFFFFFF  }
0x96: {  	s16 =	sld [smem:$0x10];
	(tm) =	ssettm $0x1  }
0x97: {  	s17 =	sld [smem:$0x3FFB];
	_ =	sdelay $0x3  }
0x98: {  	_ =	strace s17  }
0x99: {  	s4 =	sld [smem:$0x3FFC];
	_ =	sdelay $0x3  }
0x9a: {  	_ =	strace s4  }
0x9b: {  	s4 =	sld [smem:$0x3FFD];
	_ =	sdelay $0x3  }
0x9c: {  	_ =	strace s4  }
0x9d: {  	_ =	strace $0x8FFFFFFF  }
0x9e: {  	s18 =	sld [smem:$0x3FDB];
	_ =	sdelay $0x1  }
0x9f: {  	s19 =	simm.s32 $_scs_section_size  }
0xa0: {  	s6 =	simm.s32 $_size__tile_overlayer_lowered;
	s7 =	simm.s32 $_tile_overlayer_lowered  }
0xa1: {  	s22 =	simm.s32 $0x1BFF;
	s21 =	sshll.u32 s7, $0x1;
	s4 =	sadd.s32 s19, s18  }
0xa2: {  	s8 =	simm.s32 $0x0;
	s20 =	sshll.u32 s6, $0x1;
	s6 =	sadd.s32 s21, s4  }
0xa3: {  	[timem:s8], [sflag:s22] =	dma.local [hbm:s6], s20  }
0xa4: {  	_ =	swait.ge [sflag:s22], s20  }
0xa5: {  	s5 =	ssub.s32 $0x0, s20;
	[sflag:s22] =	ssyncset.done $0x0  }
0xa6: {  	[sflag:s22] =	ssyncadd.s32 s5;
	_ =	sdelay $0x1  }
0xa7: {  	s23 =	simm.s32 $0x1B8B  }
0xa8: {  	_ =	swait.ge [sflag:s23], $0x1  }
0xa9: {  	[sflag:s23] =	ssyncset.done $0x0  }
0xaa: {  	s25 =	simm.s32 $0x1B8E;
	s24 =	sld [smem:$0x3FFE];
	[sflag:s23] =	ssyncadd.s32 $0xFFFFFFFF  }
0xab: {  	s26 =	simm.s32 $execute0_lowered;
	[smem:$0x3FD2] =	sst s25  }
0xac: {  	s6 =	sshll.u32 s26, $0x1;
	_ =	strace $0x80000049;
	[dreg:$0x1] =	wrdreg $0xFFFFFFFF  }
0xad: {  	s28 =	simm.s32 $_size_execute0_lowered;
	s4 =	sadd.s32 s4, s6;
	[dreg:$0x0] =	wrdreg $0x0  }
0xae: {  	s6 =	sshll.u32 s28, $0x1;
	[dreg:$0x2] =	wrdreg s4  }
0xaf: {  	[dreg:$0x3] =	wrdreg s6  }
0xb0: {  	[dreg:$0x4] =	wrdreg $0xC0  }
0xb1: {  	_ =	task [dreg:s8], $0x5FFFF  }
0xb2: {  	[dreg:$0x1] =	wrdreg $0xFFFFFFFF  }
0xb3: {  	[dreg:$0x0] =	wrdreg $0x60  }
0xb4: {  	[dreg:$0x2] =	wrdreg s24  }
0xb5: {  	[dreg:$0x3] =	wrdreg s15  }
0xb6: {  	[dreg:$0x4] =	wrdreg s16  }
0xb7: {  	[dreg:$0x5] =	wrdreg $0x92000  }
0xb8: {  	[dreg:$0x6] =	wrdreg $0x9  }
0xb9: {  	_ =	task.clear_ibuf [dreg:s8], $0x7FFFF;
	_ =	strace $0x90000049  }
0xba: {  	s29 =	simm.s32 $0x9;
	_ =	strace $0x8000004B  }
0xbb: {  	_ =	swait.ge [sflag:s29], $0x1  }
0xbc: {  	[sflag:s29] =	ssyncadd.s32 $0xFFFFFFFF  }
0xbd: {  	_ =	strace $0x9000004B  }
0xbe: {  	_ =	sfence  }
0xbf: {  	s30 =	sld [smem:$0x0];
	_ =	sdelay $0x2  }
0xc0: {  	s31 =	sshll.u32 s1, $0xD;
	s1 =	sshrl.u32 s1, $0x2  }
0xc1: {  	s3 =	sand.u32 $0x4000, s31;
	s1 =	sadd.s32 s1, s30  }
0xc2: {  	s0 =	sor.u32 s3, s0;
	s1 =	sshll.u32 s1, $0x11  }
0xc3: {  	s0 =	sor.u32 s1, s0  }
0xc4: {  	s0 =	sadd.s32 $0x8F2B, s0  }
0xc5: {  	[sflag:s0] =	ssyncadd.remote.s32 $0x1  }
0xc6: {  	_ =	sfence.sel $0xFFFF  }
0xc7: {  	[dreg:$0x0] =	wrdreg $0xFFFFFFFF;
	(pc) =	sbr.abs _section_cstart, $3  }
0xc8: {  	[dreg:$0x1] =	wrdreg $0xFFFFFFFF  }
0xc9: {  	_ =	task.clear_ibuf [dreg:s8], $0x2FFFF;
	_ =	strace $0x9FFFFFFF  }
0xca: {  	(tm) =	ssettm $0x7FFFFFFF  }
0xcb: {  	_ =	shalt  }
tec
execute0_lowered:
.L_overlay_start_1:
0x0: {  	(tag) =	ssettag $0x1  }
0x1: {  	s4 =	rddreg [dreg:$0x0]  }
0x2: {  	s5 =	rddreg [dreg:$0x1]  }
0x3: {  	s8 =	rddreg [dreg:$0x2]  }
0x4: {  	s1 =	rddreg [dreg:$0x3]  }
0x5: {  	s0 =	rddreg [dreg:$0x4];
	s3 =	simm.s32 $0x0;
	s6 =	srdreg.scid  }
0x6: {  	s2 =	stileid.u32;
	s12 =	simm.s32 $0x2;
	s13 =	simm.s32 $0x80  }
0x7: {  	s14 =	simm.s32 $0x200;
	s15 =	simm.s32 $0x4200;
	s16 =	simm.s32 $0x1  }
0x8: {  	s17 =	simm.s32 $0x3;
	s18 =	simm.s32 $0x4;
	s19 =	simm.s32 $0x180  }
0x9: {  	s20 =	simm.s32 $0x5;
	s23 =	simm.s32 $0x6;
	s24 =	simm.s32 $0x0  }
0xa: {  	[smem:$0x7FF] =	sst s3;
	s9 =	sand.u32 $0x1, s6;
	s7 =	sshll.u32 s2, $0x7  }
0xb: {  	s4 =	sadd.s32 $0x4600, s4;
	s30 =	sshll.u32 s2, $0xC;
	s31 =	sshll.u32 s2, $0x9  }
0xc: {  	s21 =	sshll.u32 s2, $0x6;
	s6 =	ssub.s32 $0x2, s9;
	s10 =	sshll.u32 s9, $0x6  }
0xd: {  	_ =	strace $0x8000004A;
	s9 =	sshll.u32 s9, $0xD;
	s8 =	sadd.s32 s8, s31  }
0xe: {  	s21 =	sor.u32 $0x1C06, s21;
	s11 =	sshrl.u32 s6, $0x1;
	s7 =	sor.u32 s10, s7  }
0xf: {  	s8 =	sadd.s32 s9, s8;
	s10 =	simm.s32 $0x100;
	s29 =	ssub.s32 s6, s11  }
0x10: {  	s5 =	sadd.s32 s5, s7;
	s7 =	sadd.s32 s30, s1;
	s11 =	simm.s32 $0x8200  }
0x11: {  	v0 =	vimm.f32 $0.0e+00;
	s6 =	sadd.s32 $0x20, s5;
	s9 =	smax.u32 s29, $0x1;
	s22 =	sshrl.u32 s7, $0x3  }
.LBB2_1:
0x12: {  	[tilespmem:s3], [sflag:$0x2] =	stream.linear.gather [hbm4b:s5+s3], $0x100, $0x38;
	[tilespmem:$0xA200] =	vst v63  }
0x13: {  	s25 =	simm.s32 $0x0;
	s26 =	simm.s32 $0x200  }
0x14: {  	[tilespmem:s10], [sflag:$0x2] =	stream.linear.gather [hbm4b:s6+s3], $0x100, $0x38;
	[tilespmem:$0xA200] =	vst v63  }
.LBB2_2:
0x15: {  	p0 =	sne.s32 s26, $0x3E00;
	[tilespmem:s25+$0x8270] =	vst v0  }
0x16: {  	[tilespmem:s25+$0x8200] =	vst v0  }
0x17: {  	[tilespmem:s25+$0x8210] =	vst v0  }
.Ltmp0:
0x18: {  	[tilespmem:s25+$0x8220] =	vst v0;
	(pc) =	sbr.rel @p0 .LBB2_2-.Ltmp0, $4  }
0x19: {  	[tilespmem:s25+$0x8230] =	vst v0  }
0x1a: {  	[tilespmem:s25+$0x8240] =	vst v0  }
0x1b: {  	[tilespmem:s25+$0x8250] =	vst v0  }
0x1c: {  	[tilespmem:s25+$0x8260] =	vst v0;
	s25 =	sshra.s32 s26, $0x2;
	s26 =	sadd.s32 $0x200, s26  }
0x1d: {  	[tilespmem:s25+$0x8270] =	vst v0  }
0x1e: {  	[tilespmem:s25+$0x8200] =	vst v0  }
0x1f: {  	[tilespmem:s25+$0x8210] =	vst v0  }
0x20: {  	[tilespmem:s25+$0x8220] =	vst v0  }
0x21: {  	[tilespmem:s25+$0x8230] =	vst v0  }
0x22: {  	[tilespmem:s25+$0x8240] =	vst v0  }
0x23: {  	[tilespmem:s25+$0x8250] =	vst v0  }
0x24: {  	[tilespmem:s25+$0x8260] =	vst v0  }
0x25: {  	[spmem:s7] =	stream.linear.scatter [tilespmem:s11], [sflag:$0x1], $0x1000, $0x38;
	[tilespmem:$0xA200] =	vst v63  }
0x26: {  	_ =	swait.ge [sflag:s12], $0x100  }
0x27: {  	[sflag:s12] =	ssyncset.done $0x0  }
0x28: {  	[sflag:s12] =	ssyncadd.s32 $0xFFFFFF00  }
0x29: {  	_ =	swait.ge [sflag:s12], $0x100  }
0x2a: {  	[sflag:s12] =	ssyncset.done $0x0  }
0x2b: {  	[sflag:s12] =	ssyncadd.s32 $0xFFFFFF00  }
0x2c: {  	[tilespmem:s14], [sflag:$0x3] =	stream.indirect.gather [hbm4b:s4+s13], $0x80, s3, s13, $0xb8;
	[tilespmem:$0xA200] =	vst v63  }
0x2d: {  	_ = 	snop  }
0x2e: {  	[tilespmem:s15], [sflag:$0x4] =	stream.indirect.gather [hbm4b:s4+s13], $0x80, s10, s13, $0xb8;
	[tilespmem:$0xA200] =	vst v63  }
0x2f: {  	_ =	swait.ge [sflag:s16], $0x1000  }
0x30: {  	[sflag:s16] =	ssyncset.done $0x0  }
0x31: {  	[sflag:s16] =	ssyncadd.s32 $0xFFFFF000  }
0x32: {  	[bflag:$0x0] =	sbarrier.arrive $0xFFFF  }
0x33: {  	_ =	swait.ge [sflag:s17], $0x4000  }
0x34: {  	[sflag:s17] =	ssyncset.done $0x0  }
0x35: {  	[sflag:s17] =	ssyncadd.s32 $0xFFFFC000  }
0x36: {  	[spmem:s1] =	stream.indirect.scatter.add.f32 [tilespmem:s14], [sflag:$0x5], $0x80, s13, s13, $0xb8;
	[tilespmem:$0xA200] =	vst v63  }
0x37: {  	_ =	swait.ge [sflag:s18], $0x4000  }
0x38: {  	[sflag:s18] =	ssyncset.done $0x0  }
0x39: {  	[sflag:s18] =	ssyncadd.s32 $0xFFFFC000  }
0x3a: {  	[spmem:s1] =	stream.indirect.scatter.add.f32 [tilespmem:s15], [sflag:$0x5], $0x80, s19, s13, $0xb8;
	[tilespmem:$0xA200] =	vst v63  }
0x3b: {  	_ =	swait.ge [sflag:s20], $0x4000  }
0x3c: {  	[sflag:s20] =	ssyncset.done $0x0  }
0x3d: {  	[sflag:s20] =	ssyncadd.s32 $0xFFFFC000  }
0x3e: {  	_ =	swait.ge [sflag:s20], $0x4000  }
0x3f: {  	s24 =	sadd.s32 $0x1, s24;
	[sflag:s20] =	ssyncset.done $0x0  }
0x40: {  	p0 =	sne.s32 s24, s9;
	[sflag:s20] =	ssyncadd.s32 $0xFFFFC000  }
.Ltmp1:
0x41: {  	[bflag:$0x0] =	sbarrier.arrive $0xFFFF;
	(pc) =	sbr.rel @p0 .LBB2_1-.Ltmp1, $4  }
0x42: {  	[hbm:s8], [sflag:s21] =	dma.local [spmem:s22], $0x200  }
0x43: {  	_ =	swait.ge [sflag:s23], $0x200  }
0x44: {  	[sflag:s23] =	ssyncset.done $0x0  }
0x45: {  	[sflag:s23] =	ssyncadd.s32 $0xFFFFFE00  }
0x46: {  	_ =	sfence.sel $0x180000  }
0x47: {  	[bflag:$0x0] =	sbarrier.arrive $0xFFFF  }
0x48: {  	p0 =	sne.s32 s2, $0x0;
	_ =	strace $0x9000004A  }
0x49: {  	s0 =	sadd.s32 @!p0 $0x100000, s0;
	[bflag:$0x2] =	sbarrier.arrive $0xFFFF  }
0x4a: {  	[sflag:s0] =	ssyncadd.tile.s32 @!p0 $0x1;
	_ =	shalt  }
.Lfunc_end2:
_tile_overlayer_lowered:
.L_overlay_start_2:
0x4b: {  	(tag) =	ssettag $0x2  }
0x4c: {  	s0 =	rddreg [dreg:$0x0];
	s2 =	stileid.u32  }
0x4d: {  	s1 =	rddreg [dreg:$0x1];
	p0 =	sne.s32 s2, $0x0  }
0x4e: {  	s3 =	rddreg [dreg:$0x2];
	[bflag:$0x3] =	sbarrier.arrive $0xFFFF;
	s2 =	simm.s32 @!p0 $0x1C07  }
0x4f: {  	[timem:s3], [sflag:s2] =	dma.local @!p0 [hbm:s0], s1  }
0x50: {  	s0 =	simm.s32 @!p0 $0x7  }
0x51: {  	_ =	swait.ge @!p0 [sflag:s0], s1  }
0x52: {  	s1 =	ssub.s32 @!p0 $0x0, s1;
	[sflag:s0] =	ssyncset.done @!p0 $0x0  }
0x53: {  	[sflag:s0] =	ssyncadd.s32 @!p0 s1  }
0x54: {  	[bflag:$0x3] =	sbarrier.arrive $0xFFFF  }
0x55: {  	_ =	shalt  }

// kernel: sage_segment_sum.7.cloned.1.call-start
scs
__scs_entry_jumppad:
0x0: {  	(pc) =	sbr.rel $0x88, $3  }
0x1: {  	(tag) =	ssettag $0x0;
	lr =	simm.s32 $0x1  }
0x2: {  	[smem:$0x3F90] =	sst lr;
	_ =	strace $0xD0000000  }
0x3: {  	_ = 	snop  }
0x4: {  	_ = 	snop  }
0x5: {  	_ = 	snop  }
0x6: {  	_ = 	snop  }
0x7: {  	_ = 	snop  }
__scs_overlays_trampoline_lowered:
0x8: {  	[smem:$0x3F9F] =	sst s0  }
0x9: {  	[smem:$0x3FA0] =	sst s1  }
0xa: {  	[smem:$0x3FA1] =	sst s2  }
0xb: {  	[smem:$0x3FA2] =	sst s3  }
0xc: {  	[smem:$0x3FA3] =	sst s4  }
0xd: {  	[smem:$0x3FA4] =	sst s5  }
0xe: {  	[smem:$0x3FA5] =	sst s6  }
0xf: {  	[smem:$0x3FA6] =	sst s7  }
0x10: {  	[smem:$0x3FA7] =	sst s8  }
0x11: {  	[smem:$0x3FA8] =	sst s9;
	s0 =	simm.s32 @!p0 $0x0  }
0x12: {  	s1 =	sld [smem:$0x3F8E];
	s0 =	simm.s32 @p0 $0x1  }
0x13: {  	[smem:$0x3FA9] =	sst s0;
	s0 =	simm.s32 @!p1 $0x0  }
0x14: {  	s2 =	sld [smem:$0x3F8D];
	s0 =	simm.s32 @p1 $0x1  }
0x15: {  	[smem:$0x3FAA] =	sst s0;
	s0 =	simm.s32 @!p2 $0x0  }
0x16: {  	s3 =	sld [smem:$0x3FDB];
	s0 =	simm.s32 @p2 $0x1  }
0x17: {  	s4 =	simm.s32 $0x1BF5;
	[smem:$0x3FAC] =	sst s0  }
0x18: {  	s0 =	sld [smem:$0x3F8F];
	_ =	swait.ge [sflag:s4], $0x0  }
0x19: {  	s7 =	sld [smem:$0x3F90]  }
0x1a: {  	s8 =	sadd.s32 $0xFFFFE003, lr  }
0x1b: {  	s9 =	sadd.s32 $0xFFFFFEF7, lr;
	s5 =	simm.s32 $0xFFFFFFFF;
	p2 =	slt.u32 s8, $0xFFFFF086  }
0x1c: {  	p1 =	slt.u32 s9, $0xF7A;
	s5 =	simm.s32 @!p2 $0x0  }
0x1d: {  	s5 =	simm.s32 @p1 $0x1;
	p0 =	seq.s32 s7, s2  }
0x1e: {  	s7 =	smul.u32 @!p0 $0xF7A, s2;
	p2 =	seq.s32 @!p0 s5, $0x0  }
0x1f: {  	s9 =	smul.u32 $0xF7A, s1;
	s8 =	simm.s32 @!p0 $0x1BF5;
	p2 =	por !p2, p0  }
0x20: {  	[sflag:s8] =	ssyncset.s32 @!p0 $0xFFFFF086;
	s6 =	sadd.s32 @!p0 s3, s7;
	s7 =	simm.s32 @!p0 $0x108  }
0x21: {  	s3 =	sadd.s32 s3, s9;
	s6 =	sadd.s32 @!p0 $0x88, s6;
	s7 =	simm.s32 @p2 $0x1082  }
0x22: {  	[simem:s7], [sflag:s8] =	dma.local @!p0 [hbm:s6], $0xF7A  }
0x23: {  	s9 =	sor.u32 $0xD0000000, s2;
	s6 =	simm.s32 $0x108;
	_ =	swait.ge @!p0 [sflag:s8], $0x0  }
0x24: {  	s3 =	sadd.s32 $0x88, s3;
	s6 =	simm.s32 @!p1 $0x1082;
	[sflag:s4] =	ssyncset.s32 $0xFFFFF086  }
0x25: {  	[simem:s6], [sflag:s4] =	dma.local [hbm:s3], $0xF7A  }
0x26: {  	[smem:$0x3F90] =	sst s1;
	(tag) =	ssettag s2;
	_ =	strace s9  }
0x27: {  	s1 =	sld [smem:$0x3FA0]  }
0x28: {  	s2 =	sld [smem:$0x3FA1]  }
0x29: {  	s4 =	sld [smem:$0x3FA3]  }
0x2a: {  	p0 =	seq.s32 s5, $0x0;
	s5 =	sld [smem:$0x3FA4]  }
0x2b: {  	s6 =	sld [smem:$0x3FA5]  }
0x2c: {  	s7 =	sld [smem:$0x3FA6]  }
0x2d: {  	s3 =	simm.s32 $0x108;
	s8 =	sld [smem:$0x3FA7]  }
0x2e: {  	s3 =	simm.s32 @!p0 $0x1082;
	s9 =	sld [smem:$0x3FA8]  }
0x2f: {  	lr =	sadd.s32 s0, s3;
	s0 =	sld [smem:$0x3F9F]  }
0x30: {  	s3 =	sld [smem:$0x3FA2]  }
0x31: {  	[smem:$0x3FAB] =	sst s10  }
0x32: {  	s10 =	sld [smem:$0x3FA9];
	_ =	sdelay $0x3  }
0x33: {  	p0 =	seq.s32 s10, $0x1;
	s10 =	sld [smem:$0x3FAB];
	_ =	sdelay $0x3  }
0x34: {  	[smem:$0x3FAB] =	sst s10  }
0x35: {  	s10 =	sld [smem:$0x3FAA];
	_ =	sdelay $0x3  }
0x36: {  	p1 =	seq.s32 s10, $0x1;
	s10 =	sld [smem:$0x3FAB];
	_ =	sdelay $0x3  }
0x37: {  	[smem:$0x3FAB] =	sst s10  }
0x38: {  	s10 =	sld [smem:$0x3FAC]  }
0x39: {  	_ = 	snop;
	(pc) =	sbr.ind lr, $3  }
0x3a: {  	_ = 	snop  }
0x3b: {  	_ = 	snop  }
0x3c: {  	p2 =	seq.s32 s10, $0x1;
	s10 =	sld [smem:$0x3FAB]  }
0x3d: {  	_ =	shalt  }
0x3e: {  	_ =	shalt  }
0x3f: {  	_ =	shalt  }
0x40: {  	_ =	shalt  }
0x41: {  	_ =	shalt  }
0x42: {  	_ =	shalt  }
0x43: {  	_ =	shalt  }
0x44: {  	_ =	shalt  }
0x45: {  	_ =	shalt  }
0x46: {  	_ =	shalt  }
0x47: {  	_ =	shalt  }
0x48: {  	_ =	shalt  }
0x49: {  	_ =	shalt  }
0x4a: {  	_ =	shalt  }
0x4b: {  	_ =	shalt  }
0x4c: {  	_ =	shalt  }
0x4d: {  	_ =	shalt  }
0x4e: {  	_ =	shalt  }
0x4f: {  	_ =	shalt  }
0x50: {  	_ =	shalt  }
0x51: {  	_ =	shalt  }
0x52: {  	_ =	shalt  }
0x53: {  	_ =	shalt  }
0x54: {  	_ =	shalt  }
0x55: {  	_ =	shalt  }
0x56: {  	_ =	shalt  }
0x57: {  	_ =	shalt  }
0x58: {  	_ =	shalt  }
0x59: {  	_ =	shalt  }
0x5a: {  	_ =	shalt  }
0x5b: {  	_ =	shalt  }
0x5c: {  	_ =	shalt  }
0x5d: {  	_ =	shalt  }
0x5e: {  	_ =	shalt  }
0x5f: {  	_ =	shalt  }
0x60: {  	_ =	shalt  }
0x61: {  	_ =	shalt  }
0x62: {  	_ =	shalt  }
0x63: {  	_ =	shalt  }
0x64: {  	_ =	shalt  }
0x65: {  	_ =	shalt  }
0x66: {  	_ =	shalt  }
0x67: {  	_ =	shalt  }
0x68: {  	_ =	shalt  }
0x69: {  	_ =	shalt  }
0x6a: {  	_ =	shalt  }
0x6b: {  	_ =	shalt  }
0x6c: {  	_ =	shalt  }
0x6d: {  	_ =	shalt  }
0x6e: {  	_ =	shalt  }
0x6f: {  	_ =	shalt  }
0x70: {  	_ =	shalt  }
0x71: {  	_ =	shalt  }
0x72: {  	_ =	shalt  }
0x73: {  	_ =	shalt  }
0x74: {  	_ =	shalt  }
0x75: {  	_ =	shalt  }
0x76: {  	_ =	shalt  }
0x77: {  	_ =	shalt  }
0x78: {  	_ =	shalt  }
0x79: {  	_ =	shalt  }
0x7a: {  	_ =	shalt  }
0x7b: {  	_ =	shalt  }
0x7c: {  	_ =	shalt  }
0x7d: {  	_ =	shalt  }
0x7e: {  	_ =	shalt  }
0x7f: {  	_ =	shalt  }
0x80: {  	_ =	shalt  }
0x81: {  	_ =	shalt  }
0x82: {  	_ =	shalt  }
0x83: {  	_ =	shalt  }
0x84: {  	_ =	shalt  }
0x85: {  	_ =	shalt  }
0x86: {  	_ =	shalt  }
0x87: {  	_ =	shalt  }
.Lfunc_end0:
.L_simem_size_0:
called_computation.2_lowered:
.L_overlay_start_0:
0x88: {  	s2 =	sld [smem:$0x3FD9]  }
0x89: {  	s3 =	sld [smem:$0x3FFE];
	_ =	sdelay $0x1  }
0x8a: {  	s1 =	srdreg.scid  }
0x8b: {  	s0 =	sand.u32 $0x1, s1  }
0x8c: {  	s14 =	sshll.u32 s0, $0xA;
	s2 =	sadd.s32 s3, s2  }
0x8d: {  	s2 =	sadd.s32 s2, s14  }
0x8e: {  	[smem:$0x3FB7] =	sst s2  }
0x8f: {  	_ = 	snop  }
0x90: {  	s2 =	sld [smem:$0x3FD0];
	_ =	sdelay $0x2  }
0x91: {  	s4 =	simm.s32 $0xA;
	s5 =	simm.s32 $0x10;
	s15 =	sld [smem:$0x3FC8]  }
0x92: {  	[smem:s5], [sflag:s4] =	dma.local [hbm:s2], $0x1  }
0x93: {  	_ =	swait.eq [sflag:s4], $0x1  }
0x94: {  	[sflag:s4] =	ssyncset.done $0x0  }
0x95: {  	[sflag:s4] =	ssyncadd.s32 $0xFFFFFFFF  }
0x96: {  	s16 =	sld [smem:$0x10];
	(tm) =	ssettm $0x1  }
0x97: {  	s17 =	sld [smem:$0x3FFB];
	_ =	sdelay $0x3  }
0x98: {  	_ =	strace s17  }
0x99: {  	s4 =	sld [smem:$0x3FFC];
	_ =	sdelay $0x3  }
0x9a: {  	_ =	strace s4  }
0x9b: {  	s4 =	sld [smem:$0x3FFD];
	_ =	sdelay $0x3  }
0x9c: {  	_ =	strace s4  }
0x9d: {  	_ =	strace $0x8FFFFFFF  }
0x9e: {  	s18 =	sld [smem:$0x3FDB];
	_ =	sdelay $0x1  }
0x9f: {  	s19 =	simm.s32 $_scs_section_size  }
0xa0: {  	s6 =	simm.s32 $_size__tile_overlayer_lowered;
	s7 =	simm.s32 $_tile_overlayer_lowered  }
0xa1: {  	s22 =	simm.s32 $0x1BFF;
	s21 =	sshll.u32 s7, $0x1;
	s4 =	sadd.s32 s19, s18  }
0xa2: {  	s8 =	simm.s32 $0x0;
	s20 =	sshll.u32 s6, $0x1;
	s6 =	sadd.s32 s21, s4  }
0xa3: {  	[timem:s8], [sflag:s22] =	dma.local [hbm:s6], s20  }
0xa4: {  	_ =	swait.ge [sflag:s22], s20  }
0xa5: {  	s5 =	ssub.s32 $0x0, s20;
	[sflag:s22] =	ssyncset.done $0x0  }
0xa6: {  	[sflag:s22] =	ssyncadd.s32 s5;
	_ =	sdelay $0x1  }
0xa7: {  	s23 =	simm.s32 $0x1B8B  }
0xa8: {  	_ =	swait.ge [sflag:s23], $0x1  }
0xa9: {  	[sflag:s23] =	ssyncset.done $0x0  }
0xaa: {  	s25 =	simm.s32 $0x1B8E;
	s24 =	sld [smem:$0x3FFE];
	[sflag:s23] =	ssyncadd.s32 $0xFFFFFFFF  }
0xab: {  	s26 =	simm.s32 $execute0_lowered;
	[smem:$0x3FD2] =	sst s25  }
0xac: {  	s6 =	sshll.u32 s26, $0x1;
	_ =	strace $0x8000004C;
	[dreg:$0x1] =	wrdreg $0xFFFFFFFF  }
0xad: {  	s28 =	simm.s32 $_size_execute0_lowered;
	s4 =	sadd.s32 s4, s6;
	[dreg:$0x0] =	wrdreg $0x0  }
0xae: {  	s6 =	sshll.u32 s28, $0x1;
	[dreg:$0x2] =	wrdreg s4  }
0xaf: {  	[dreg:$0x3] =	wrdreg s6  }
0xb0: {  	[dreg:$0x4] =	wrdreg $0xC0  }
0xb1: {  	_ =	task [dreg:s8], $0x5FFFF  }
0xb2: {  	[dreg:$0x1] =	wrdreg $0xFFFFFFFF  }
0xb3: {  	[dreg:$0x0] =	wrdreg $0x60  }
0xb4: {  	[dreg:$0x2] =	wrdreg s24  }
0xb5: {  	[dreg:$0x3] =	wrdreg s15  }
0xb6: {  	[dreg:$0x4] =	wrdreg s16  }
0xb7: {  	[dreg:$0x5] =	wrdreg $0x92000  }
0xb8: {  	[dreg:$0x6] =	wrdreg $0x9  }
0xb9: {  	_ =	task.clear_ibuf [dreg:s8], $0x7FFFF;
	_ =	strace $0x9000004C  }
0xba: {  	s29 =	simm.s32 $0x9;
	_ =	strace $0x8000004E  }
0xbb: {  	_ =	swait.ge [sflag:s29], $0x1  }
0xbc: {  	[sflag:s29] =	ssyncadd.s32 $0xFFFFFFFF  }
0xbd: {  	_ =	strace $0x9000004E  }
0xbe: {  	_ =	sfence  }
0xbf: {  	s30 =	sld [smem:$0x0];
	_ =	sdelay $0x2  }
0xc0: {  	s31 =	sshll.u32 s1, $0xD;
	s1 =	sshrl.u32 s1, $0x2  }
0xc1: {  	s3 =	sand.u32 $0x4000, s31;
	s1 =	sadd.s32 s1, s30  }
0xc2: {  	s0 =	sor.u32 s3, s0;
	s1 =	sshll.u32 s1, $0x11  }
0xc3: {  	s0 =	sor.u32 s1, s0  }
0xc4: {  	s0 =	sadd.s32 $0x8F2B, s0  }
0xc5: {  	[sflag:s0] =	ssyncadd.remote.s32 $0x1  }
0xc6: {  	_ =	sfence.sel $0xFFFF  }
0xc7: {  	[dreg:$0x0] =	wrdreg $0xFFFFFFFF;
	(pc) =	sbr.abs _section_cstart, $3  }
0xc8: {  	[dreg:$0x1] =	wrdreg $0xFFFFFFFF  }
0xc9: {  	_ =	task.clear_ibuf [dreg:s8], $0x2FFFF;
	_ =	strace $0x9FFFFFFF  }
0xca: {  	(tm) =	ssettm $0x7FFFFFFF  }
0xcb: {  	_ =	shalt  }
tec
execute0_lowered:
.L_overlay_start_1:
0x0: {  	(tag) =	ssettag $0x1  }
0x1: {  	s4 =	rddreg [dreg:$0x0]  }
0x2: {  	s5 =	rddreg [dreg:$0x1]  }
0x3: {  	s8 =	rddreg [dreg:$0x2]  }
0x4: {  	s1 =	rddreg [dreg:$0x3]  }
0x5: {  	s0 =	rddreg [dreg:$0x4];
	s3 =	simm.s32 $0x0;
	s6 =	srdreg.scid  }
0x6: {  	s2 =	stileid.u32;
	s12 =	simm.s32 $0x2;
	s13 =	simm.s32 $0x80  }
0x7: {  	s14 =	simm.s32 $0x200;
	s15 =	simm.s32 $0x4200;
	s16 =	simm.s32 $0x1  }
0x8: {  	s17 =	simm.s32 $0x3;
	s18 =	simm.s32 $0x4;
	s19 =	simm.s32 $0x180  }
0x9: {  	s20 =	simm.s32 $0x5;
	s23 =	simm.s32 $0x6;
	s24 =	simm.s32 $0x0  }
0xa: {  	[smem:$0x7FF] =	sst s3;
	s9 =	sand.u32 $0x1, s6;
	s7 =	sshll.u32 s2, $0x7  }
0xb: {  	s4 =	sadd.s32 $0x4600, s4;
	s30 =	sshll.u32 s2, $0xC;
	s31 =	sshll.u32 s2, $0x9  }
0xc: {  	s21 =	sshll.u32 s2, $0x6;
	s6 =	ssub.s32 $0x2, s9;
	s10 =	sshll.u32 s9, $0x6  }
0xd: {  	_ =	strace $0x8000004D;
	s9 =	sshll.u32 s9, $0xD;
	s8 =	sadd.s32 s8, s31  }
0xe: {  	s21 =	sor.u32 $0x1C06, s21;
	s11 =	sshrl.u32 s6, $0x1;
	s7 =	sor.u32 s10, s7  }
0xf: {  	s8 =	sadd.s32 s9, s8;
	s10 =	simm.s32 $0x100;
	s29 =	ssub.s32 s6, s11  }
0x10: {  	s5 =	sadd.s32 s5, s7;
	s7 =	sadd.s32 s30, s1;
	s11 =	simm.s32 $0x8200  }
0x11: {  	v0 =	vimm.f32 $0.0e+00;
	s6 =	sadd.s32 $0x20, s5;
	s9 =	smax.u32 s29, $0x1;
	s22 =	sshrl.u32 s7, $0x3  }
.LBB2_1:
0x12: {  	[tilespmem:s3], [sflag:$0x2] =	stream.linear.gather [hbm4b:s5+s3], $0x100, $0x38;
	[tilespmem:$0xA200] =	vst v63  }
0x13: {  	s25 =	simm.s32 $0x0;
	s26 =	simm.s32 $0x200  }
0x14: {  	[tilespmem:s10], [sflag:$0x2] =	stream.linear.gather [hbm4b:s6+s3], $0x100, $0x38;
	[tilespmem:$0xA200] =	vst v63  }
.LBB2_2:
0x15: {  	p0 =	sne.s32 s26, $0x3E00;
	[tilespmem:s25+$0x8270] =	vst v0  }
0x16: {  	[tilespmem:s25+$0x8200] =	vst v0  }
0x17: {  	[tilespmem:s25+$0x8210] =	vst v0  }
.Ltmp0:
0x18: {  	[tilespmem:s25+$0x8220] =	vst v0;
	(pc) =	sbr.rel @p0 .LBB2_2-.Ltmp0, $4  }
0x19: {  	[tilespmem:s25+$0x8230] =	vst v0  }
0x1a: {  	[tilespmem:s25+$0x8240] =	vst v0  }
0x1b: {  	[tilespmem:s25+$0x8250] =	vst v0  }
0x1c: {  	[tilespmem:s25+$0x8260] =	vst v0;
	s25 =	sshra.s32 s26, $0x2;
	s26 =	sadd.s32 $0x200, s26  }
0x1d: {  	[tilespmem:s25+$0x8270] =	vst v0  }
0x1e: {  	[tilespmem:s25+$0x8200] =	vst v0  }
0x1f: {  	[tilespmem:s25+$0x8210] =	vst v0  }
0x20: {  	[tilespmem:s25+$0x8220] =	vst v0  }
0x21: {  	[tilespmem:s25+$0x8230] =	vst v0  }
0x22: {  	[tilespmem:s25+$0x8240] =	vst v0  }
0x23: {  	[tilespmem:s25+$0x8250] =	vst v0  }
0x24: {  	[tilespmem:s25+$0x8260] =	vst v0  }
0x25: {  	[spmem:s7] =	stream.linear.scatter [tilespmem:s11], [sflag:$0x1], $0x1000, $0x38;
	[tilespmem:$0xA200] =	vst v63  }
0x26: {  	_ =	swait.ge [sflag:s12], $0x100  }
0x27: {  	[sflag:s12] =	ssyncset.done $0x0  }
0x28: {  	[sflag:s12] =	ssyncadd.s32 $0xFFFFFF00  }
0x29: {  	_ =	swait.ge [sflag:s12], $0x100  }
0x2a: {  	[sflag:s12] =	ssyncset.done $0x0  }
0x2b: {  	[sflag:s12] =	ssyncadd.s32 $0xFFFFFF00  }
0x2c: {  	[tilespmem:s14], [sflag:$0x3] =	stream.indirect.gather [hbm4b:s4+s13], $0x80, s3, s13, $0xb8;
	[tilespmem:$0xA200] =	vst v63  }
0x2d: {  	_ = 	snop  }
0x2e: {  	[tilespmem:s15], [sflag:$0x4] =	stream.indirect.gather [hbm4b:s4+s13], $0x80, s10, s13, $0xb8;
	[tilespmem:$0xA200] =	vst v63  }
0x2f: {  	_ =	swait.ge [sflag:s16], $0x1000  }
0x30: {  	[sflag:s16] =	ssyncset.done $0x0  }
0x31: {  	[sflag:s16] =	ssyncadd.s32 $0xFFFFF000  }
0x32: {  	[bflag:$0x0] =	sbarrier.arrive $0xFFFF  }
0x33: {  	_ =	swait.ge [sflag:s17], $0x4000  }
0x34: {  	[sflag:s17] =	ssyncset.done $0x0  }
0x35: {  	[sflag:s17] =	ssyncadd.s32 $0xFFFFC000  }
0x36: {  	[spmem:s1] =	stream.indirect.scatter.add.f32 [tilespmem:s14], [sflag:$0x5], $0x80, s13, s13, $0xb8;
	[tilespmem:$0xA200] =	vst v63  }
0x37: {  	_ =	swait.ge [sflag:s18], $0x4000  }
0x38: {  	[sflag:s18] =	ssyncset.done $0x0  }
0x39: {  	[sflag:s18] =	ssyncadd.s32 $0xFFFFC000  }
0x3a: {  	[spmem:s1] =	stream.indirect.scatter.add.f32 [tilespmem:s15], [sflag:$0x5], $0x80, s19, s13, $0xb8;
	[tilespmem:$0xA200] =	vst v63  }
0x3b: {  	_ =	swait.ge [sflag:s20], $0x4000  }
0x3c: {  	[sflag:s20] =	ssyncset.done $0x0  }
0x3d: {  	[sflag:s20] =	ssyncadd.s32 $0xFFFFC000  }
0x3e: {  	_ =	swait.ge [sflag:s20], $0x4000  }
0x3f: {  	s24 =	sadd.s32 $0x1, s24;
	[sflag:s20] =	ssyncset.done $0x0  }
0x40: {  	p0 =	sne.s32 s24, s9;
	[sflag:s20] =	ssyncadd.s32 $0xFFFFC000  }
.Ltmp1:
0x41: {  	[bflag:$0x0] =	sbarrier.arrive $0xFFFF;
	(pc) =	sbr.rel @p0 .LBB2_1-.Ltmp1, $4  }
0x42: {  	[hbm:s8], [sflag:s21] =	dma.local [spmem:s22], $0x200  }
0x43: {  	_ =	swait.ge [sflag:s23], $0x200  }
0x44: {  	[sflag:s23] =	ssyncset.done $0x0  }
0x45: {  	[sflag:s23] =	ssyncadd.s32 $0xFFFFFE00  }
0x46: {  	_ =	sfence.sel $0x180000  }
0x47: {  	[bflag:$0x0] =	sbarrier.arrive $0xFFFF  }
0x48: {  	p0 =	sne.s32 s2, $0x0;
	_ =	strace $0x9000004D  }
0x49: {  	s0 =	sadd.s32 @!p0 $0x100000, s0;
	[bflag:$0x2] =	sbarrier.arrive $0xFFFF  }
0x4a: {  	[sflag:s0] =	ssyncadd.tile.s32 @!p0 $0x1;
	_ =	shalt  }
.Lfunc_end2:
_tile_overlayer_lowered:
.L_overlay_start_2:
0x4b: {  	(tag) =	ssettag $0x2  }
0x4c: {  	s0 =	rddreg [dreg:$0x0];
	s2 =	stileid.u32  }
0x4d: {  	s1 =	rddreg [dreg:$0x1];
	p0 =	sne.s32 s2, $0x0  }
0x4e: {  	s3 =	rddreg [dreg:$0x2];
	[bflag:$0x3] =	sbarrier.arrive $0xFFFF;
	s2 =	simm.s32 @!p0 $0x1C07  }
0x4f: {  	[timem:s3], [sflag:s2] =	dma.local @!p0 [hbm:s0], s1  }
0x50: {  	s0 =	simm.s32 @!p0 $0x7  }
0x51: {  	_ =	swait.ge @!p0 [sflag:s0], s1  }
0x52: {  	s1 =	ssub.s32 @!p0 $0x0, s1;
	[sflag:s0] =	ssyncset.done @!p0 $0x0  }
0x53: {  	[sflag:s0] =	ssyncadd.s32 @!p0 s1  }
0x54: {  	[bflag:$0x3] =	sbarrier.arrive $0xFFFF  }
0x55: {  	_ =	shalt  }

// kernel: sage_segment_sum_deg.3.cloned.1.call-start
scs
__scs_entry_jumppad:
0x0: {  	(pc) =	sbr.rel $0x88, $3  }
0x1: {  	(tag) =	ssettag $0x0;
	lr =	simm.s32 $0x1  }
0x2: {  	[smem:$0x3F90] =	sst lr;
	_ =	strace $0xD0000000  }
0x3: {  	_ = 	snop  }
0x4: {  	_ = 	snop  }
0x5: {  	_ = 	snop  }
0x6: {  	_ = 	snop  }
0x7: {  	_ = 	snop  }
__scs_overlays_trampoline_lowered:
0x8: {  	[smem:$0x3F9F] =	sst s0  }
0x9: {  	[smem:$0x3FA0] =	sst s1  }
0xa: {  	[smem:$0x3FA1] =	sst s2  }
0xb: {  	[smem:$0x3FA2] =	sst s3  }
0xc: {  	[smem:$0x3FA3] =	sst s4  }
0xd: {  	[smem:$0x3FA4] =	sst s5  }
0xe: {  	[smem:$0x3FA5] =	sst s6  }
0xf: {  	[smem:$0x3FA6] =	sst s7  }
0x10: {  	[smem:$0x3FA7] =	sst s8  }
0x11: {  	[smem:$0x3FA8] =	sst s9;
	s0 =	simm.s32 @!p0 $0x0  }
0x12: {  	s1 =	sld [smem:$0x3F8E];
	s0 =	simm.s32 @p0 $0x1  }
0x13: {  	[smem:$0x3FA9] =	sst s0;
	s0 =	simm.s32 @!p1 $0x0  }
0x14: {  	s2 =	sld [smem:$0x3F8D];
	s0 =	simm.s32 @p1 $0x1  }
0x15: {  	[smem:$0x3FAA] =	sst s0;
	s0 =	simm.s32 @!p2 $0x0  }
0x16: {  	s3 =	sld [smem:$0x3FDB];
	s0 =	simm.s32 @p2 $0x1  }
0x17: {  	s4 =	simm.s32 $0x1BF5;
	[smem:$0x3FAC] =	sst s0  }
0x18: {  	s0 =	sld [smem:$0x3F8F];
	_ =	swait.ge [sflag:s4], $0x0  }
0x19: {  	s7 =	sld [smem:$0x3F90]  }
0x1a: {  	s8 =	sadd.s32 $0xFFFFE003, lr  }
0x1b: {  	s9 =	sadd.s32 $0xFFFFFEF7, lr;
	s5 =	simm.s32 $0xFFFFFFFF;
	p2 =	slt.u32 s8, $0xFFFFF086  }
0x1c: {  	p1 =	slt.u32 s9, $0xF7A;
	s5 =	simm.s32 @!p2 $0x0  }
0x1d: {  	s5 =	simm.s32 @p1 $0x1;
	p0 =	seq.s32 s7, s2  }
0x1e: {  	s7 =	smul.u32 @!p0 $0xF7A, s2;
	p2 =	seq.s32 @!p0 s5, $0x0  }
0x1f: {  	s9 =	smul.u32 $0xF7A, s1;
	s8 =	simm.s32 @!p0 $0x1BF5;
	p2 =	por !p2, p0  }
0x20: {  	[sflag:s8] =	ssyncset.s32 @!p0 $0xFFFFF086;
	s6 =	sadd.s32 @!p0 s3, s7;
	s7 =	simm.s32 @!p0 $0x108  }
0x21: {  	s3 =	sadd.s32 s3, s9;
	s6 =	sadd.s32 @!p0 $0x88, s6;
	s7 =	simm.s32 @p2 $0x1082  }
0x22: {  	[simem:s7], [sflag:s8] =	dma.local @!p0 [hbm:s6], $0xF7A  }
0x23: {  	s9 =	sor.u32 $0xD0000000, s2;
	s6 =	simm.s32 $0x108;
	_ =	swait.ge @!p0 [sflag:s8], $0x0  }
0x24: {  	s3 =	sadd.s32 $0x88, s3;
	s6 =	simm.s32 @!p1 $0x1082;
	[sflag:s4] =	ssyncset.s32 $0xFFFFF086  }
0x25: {  	[simem:s6], [sflag:s4] =	dma.local [hbm:s3], $0xF7A  }
0x26: {  	[smem:$0x3F90] =	sst s1;
	(tag) =	ssettag s2;
	_ =	strace s9  }
0x27: {  	s1 =	sld [smem:$0x3FA0]  }
0x28: {  	s2 =	sld [smem:$0x3FA1]  }
0x29: {  	s4 =	sld [smem:$0x3FA3]  }
0x2a: {  	p0 =	seq.s32 s5, $0x0;
	s5 =	sld [smem:$0x3FA4]  }
0x2b: {  	s6 =	sld [smem:$0x3FA5]  }
0x2c: {  	s7 =	sld [smem:$0x3FA6]  }
0x2d: {  	s3 =	simm.s32 $0x108;
	s8 =	sld [smem:$0x3FA7]  }
0x2e: {  	s3 =	simm.s32 @!p0 $0x1082;
	s9 =	sld [smem:$0x3FA8]  }
0x2f: {  	lr =	sadd.s32 s0, s3;
	s0 =	sld [smem:$0x3F9F]  }
0x30: {  	s3 =	sld [smem:$0x3FA2]  }
0x31: {  	[smem:$0x3FAB] =	sst s10  }
0x32: {  	s10 =	sld [smem:$0x3FA9];
	_ =	sdelay $0x3  }
0x33: {  	p0 =	seq.s32 s10, $0x1;
	s10 =	sld [smem:$0x3FAB];
	_ =	sdelay $0x3  }
0x34: {  	[smem:$0x3FAB] =	sst s10  }
0x35: {  	s10 =	sld [smem:$0x3FAA];
	_ =	sdelay $0x3  }
0x36: {  	p1 =	seq.s32 s10, $0x1;
	s10 =	sld [smem:$0x3FAB];
	_ =	sdelay $0x3  }
0x37: {  	[smem:$0x3FAB] =	sst s10  }
0x38: {  	s10 =	sld [smem:$0x3FAC]  }
0x39: {  	_ = 	snop;
	(pc) =	sbr.ind lr, $3  }
0x3a: {  	_ = 	snop  }
0x3b: {  	_ = 	snop  }
0x3c: {  	p2 =	seq.s32 s10, $0x1;
	s10 =	sld [smem:$0x3FAB]  }
0x3d: {  	_ =	shalt  }
0x3e: {  	_ =	shalt  }
0x3f: {  	_ =	shalt  }
0x40: {  	_ =	shalt  }
0x41: {  	_ =	shalt  }
0x42: {  	_ =	shalt  }
0x43: {  	_ =	shalt  }
0x44: {  	_ =	shalt  }
0x45: {  	_ =	shalt  }
0x46: {  	_ =	shalt  }
0x47: {  	_ =	shalt  }
0x48: {  	_ =	shalt  }
0x49: {  	_ =	shalt  }
0x4a: {  	_ =	shalt  }
0x4b: {  	_ =	shalt  }
0x4c: {  	_ =	shalt  }
0x4d: {  	_ =	shalt  }
0x4e: {  	_ =	shalt  }
0x4f: {  	_ =	shalt  }
0x50: {  	_ =	shalt  }
0x51: {  	_ =	shalt  }
0x52: {  	_ =	shalt  }
0x53: {  	_ =	shalt  }
0x54: {  	_ =	shalt  }
0x55: {  	_ =	shalt  }
0x56: {  	_ =	shalt  }
0x57: {  	_ =	shalt  }
0x58: {  	_ =	shalt  }
0x59: {  	_ =	shalt  }
0x5a: {  	_ =	shalt  }
0x5b: {  	_ =	shalt  }
0x5c: {  	_ =	shalt  }
0x5d: {  	_ =	shalt  }
0x5e: {  	_ =	shalt  }
0x5f: {  	_ =	shalt  }
0x60: {  	_ =	shalt  }
0x61: {  	_ =	shalt  }
0x62: {  	_ =	shalt  }
0x63: {  	_ =	shalt  }
0x64: {  	_ =	shalt  }
0x65: {  	_ =	shalt  }
0x66: {  	_ =	shalt  }
0x67: {  	_ =	shalt  }
0x68: {  	_ =	shalt  }
0x69: {  	_ =	shalt  }
0x6a: {  	_ =	shalt  }
0x6b: {  	_ =	shalt  }
0x6c: {  	_ =	shalt  }
0x6d: {  	_ =	shalt  }
0x6e: {  	_ =	shalt  }
0x6f: {  	_ =	shalt  }
0x70: {  	_ =	shalt  }
0x71: {  	_ =	shalt  }
0x72: {  	_ =	shalt  }
0x73: {  	_ =	shalt  }
0x74: {  	_ =	shalt  }
0x75: {  	_ =	shalt  }
0x76: {  	_ =	shalt  }
0x77: {  	_ =	shalt  }
0x78: {  	_ =	shalt  }
0x79: {  	_ =	shalt  }
0x7a: {  	_ =	shalt  }
0x7b: {  	_ =	shalt  }
0x7c: {  	_ =	shalt  }
0x7d: {  	_ =	shalt  }
0x7e: {  	_ =	shalt  }
0x7f: {  	_ =	shalt  }
0x80: {  	_ =	shalt  }
0x81: {  	_ =	shalt  }
0x82: {  	_ =	shalt  }
0x83: {  	_ =	shalt  }
0x84: {  	_ =	shalt  }
0x85: {  	_ =	shalt  }
0x86: {  	_ =	shalt  }
0x87: {  	_ =	shalt  }
.Lfunc_end0:
.L_simem_size_0:
called_computation_lowered:
.L_overlay_start_0:
0x88: {  	s2 =	sld [smem:$0x3FD9]  }
0x89: {  	s3 =	sld [smem:$0x3FFE];
	_ =	sdelay $0x1  }
0x8a: {  	s1 =	srdreg.scid  }
0x8b: {  	s0 =	sand.u32 $0x1, s1  }
0x8c: {  	s14 =	sshll.u32 s0, $0xA;
	s2 =	sadd.s32 s3, s2  }
0x8d: {  	s2 =	sadd.s32 s2, s14  }
0x8e: {  	[smem:$0x3FB7] =	sst s2  }
0x8f: {  	_ = 	snop  }
0x90: {  	s2 =	sld [smem:$0x3FD0];
	_ =	sdelay $0x1  }
0x91: {  	s15 =	sld [smem:$0x3FC9]  }
0x92: {  	s5 =	simm.s32 $0xA;
	s6 =	simm.s32 $0x10;
	s4 =	sld [smem:$0x3FC8]  }
0x93: {  	[smem:s6], [sflag:s5] =	dma.local [hbm:s2], $0x1  }
0x94: {  	_ =	swait.eq [sflag:s5], $0x1  }
0x95: {  	[sflag:s5] =	ssyncset.done $0x0  }
0x96: {  	[sflag:s5] =	ssyncadd.s32 $0xFFFFFFFF  }
0x97: {  	s16 =	sld [smem:$0x10];
	(tm) =	ssettm $0x1  }
0x98: {  	s17 =	sld [smem:$0x3FFB];
	_ =	sdelay $0x3  }
0x99: {  	_ =	strace s17  }
0x9a: {  	s5 =	sld [smem:$0x3FFC];
	_ =	sdelay $0x3  }
0x9b: {  	_ =	strace s5  }
0x9c: {  	s5 =	sld [smem:$0x3FFD];
	_ =	sdelay $0x3  }
0x9d: {  	_ =	strace s5  }
0x9e: {  	_ =	strace $0x8FFFFFFF  }
0x9f: {  	s18 =	sld [smem:$0x3FDB];
	_ =	sdelay $0x1  }
0xa0: {  	s19 =	simm.s32 $_scs_section_size  }
0xa1: {  	s7 =	simm.s32 $_size__tile_overlayer_lowered;
	s8 =	simm.s32 $_tile_overlayer_lowered  }
0xa2: {  	s22 =	simm.s32 $0x1BFF;
	s21 =	sshll.u32 s8, $0x1;
	s5 =	sadd.s32 s19, s18  }
0xa3: {  	s9 =	simm.s32 $0x0;
	s20 =	sshll.u32 s7, $0x1;
	s7 =	sadd.s32 s21, s5  }
0xa4: {  	[timem:s9], [sflag:s22] =	dma.local [hbm:s7], s20  }
0xa5: {  	_ =	swait.ge [sflag:s22], s20  }
0xa6: {  	s6 =	ssub.s32 $0x0, s20;
	[sflag:s22] =	ssyncset.done $0x0  }
0xa7: {  	[sflag:s22] =	ssyncadd.s32 s6;
	_ =	sdelay $0x1  }
0xa8: {  	s23 =	simm.s32 $0x1B8B  }
0xa9: {  	_ =	swait.ge [sflag:s23], $0x1  }
0xaa: {  	[sflag:s23] =	ssyncset.done $0x0  }
0xab: {  	s25 =	simm.s32 $0x1B8E;
	s24 =	sld [smem:$0x3FFE];
	[sflag:s23] =	ssyncadd.s32 $0xFFFFFFFF  }
0xac: {  	s26 =	simm.s32 $execute0_lowered;
	[smem:$0x3FD2] =	sst s25  }
0xad: {  	s7 =	sshll.u32 s26, $0x1;
	_ =	strace $0x80000046;
	[dreg:$0x1] =	wrdreg $0xFFFFFFFF  }
0xae: {  	s28 =	simm.s32 $_size_execute0_lowered;
	s5 =	sadd.s32 s5, s7;
	[dreg:$0x0] =	wrdreg $0x0  }
0xaf: {  	s7 =	sshll.u32 s28, $0x1;
	[dreg:$0x2] =	wrdreg s5  }
0xb0: {  	[dreg:$0x3] =	wrdreg s7  }
0xb1: {  	[dreg:$0x4] =	wrdreg $0xC0  }
0xb2: {  	_ =	task [dreg:s9], $0x5FFFF  }
0xb3: {  	[dreg:$0x1] =	wrdreg $0xFFFFFFFF  }
0xb4: {  	[dreg:$0x0] =	wrdreg $0x60  }
0xb5: {  	[dreg:$0x2] =	wrdreg s15  }
0xb6: {  	[dreg:$0x3] =	wrdreg s4  }
0xb7: {  	[dreg:$0x4] =	wrdreg s16  }
0xb8: {  	[dreg:$0x5] =	wrdreg s24  }
0xb9: {  	[dreg:$0x6] =	wrdreg $0xD2000  }
0xba: {  	[dreg:$0x7] =	wrdreg $0xE2000  }
0xbb: {  	[dreg:$0x8] =	wrdreg $0x9  }
0xbc: {  	_ =	task.clear_ibuf [dreg:s9], $0x9FFFF;
	_ =	strace $0x90000046  }
0xbd: {  	s29 =	simm.s32 $0x9;
	_ =	strace $0x80000048  }
0xbe: {  	_ =	swait.ge [sflag:s29], $0x1  }
0xbf: {  	[sflag:s29] =	ssyncadd.s32 $0xFFFFFFFF  }
0xc0: {  	_ =	strace $0x90000048  }
0xc1: {  	_ =	sfence  }
0xc2: {  	s30 =	sld [smem:$0x0];
	_ =	sdelay $0x2  }
0xc3: {  	s31 =	sshll.u32 s1, $0xD;
	s1 =	sshrl.u32 s1, $0x2  }
0xc4: {  	s3 =	sand.u32 $0x4000, s31;
	s1 =	sadd.s32 s1, s30  }
0xc5: {  	s0 =	sor.u32 s3, s0;
	s1 =	sshll.u32 s1, $0x11  }
0xc6: {  	s0 =	sor.u32 s1, s0  }
0xc7: {  	s0 =	sadd.s32 $0x8F2B, s0  }
0xc8: {  	[sflag:s0] =	ssyncadd.remote.s32 $0x1  }
0xc9: {  	_ =	sfence.sel $0xFFFF  }
0xca: {  	[dreg:$0x0] =	wrdreg $0xFFFFFFFF;
	(pc) =	sbr.abs _section_cstart, $3  }
0xcb: {  	[dreg:$0x1] =	wrdreg $0xFFFFFFFF  }
0xcc: {  	_ =	task.clear_ibuf [dreg:s9], $0x2FFFF;
	_ =	strace $0x9FFFFFFF  }
0xcd: {  	(tm) =	ssettm $0x7FFFFFFF  }
tec
execute0_lowered:
.L_overlay_start_1:
0x0: {  	(tag) =	ssettag $0x1  }
0x1: {  	s1 =	rddreg [dreg:$0x0]  }
0x2: {  	s6 =	rddreg [dreg:$0x1]  }
0x3: {  	s10 =	rddreg [dreg:$0x2]  }
0x4: {  	s7 =	rddreg [dreg:$0x3]  }
0x5: {  	s2 =	rddreg [dreg:$0x4]  }
0x6: {  	s3 =	rddreg [dreg:$0x5]  }
0x7: {  	s0 =	rddreg [dreg:$0x6];
	s5 =	simm.s32 $0x0;
	s8 =	srdreg.scid  }
0x8: {  	s4 =	stileid.u32;
	s14 =	simm.s32 $0xC200;
	s15 =	simm.s32 $0x2  }
0x9: {  	s16 =	simm.s32 $0x80;
	s17 =	simm.s32 $0x200;
	s18 =	simm.s32 $0x4200  }
0xa: {  	s19 =	simm.s32 $0x1;
	s20 =	simm.s32 $0x3;
	s21 =	simm.s32 $0x8200  }
0xb: {  	s22 =	simm.s32 $0x4;
	s23 =	simm.s32 $0x180;
	s24 =	simm.s32 $0x5  }
0xc: {  	s25 =	simm.s32 $0x6;
	s26 =	simm.s32 $0x0;
	[smem:$0x7FF] =	sst s5  }
0xd: {  	s8 =	sand.u32 $0x1, s8;
	s9 =	sshll.u32 s4, $0xC;
	s12 =	sshll.u32 s4, $0x7  }
0xe: {  	_ =	strace $0x80000047;
	s11 =	sshll.u32 s8, $0x10;
	s13 =	sshll.u32 s8, $0x6  }
0xf: {  	s8 =	ssub.s32 $0x2, s8;
	s11 =	sor.u32 s9, s11;
	s12 =	sor.u32 s13, s12  }
0x10: {  	s30 =	sshrl.u32 s8, $0x1;
	s13 =	simm.s32 $0x100;
	s11 =	sshrl.u32 s11, $0x3  }
0x11: {  	s6 =	sadd.s32 s6, s12;
	s31 =	ssub.s32 s8, s30;
	s8 =	sadd.s32 s9, s2  }
0x12: {  	s9 =	sadd.s32 s9, s3;
	s29 =	sadd.s32 s11, s7;
	s7 =	sadd.s32 $0x20, s6  }
0x13: {  	v0 =	vimm.f32 $0.0e+00;
	v1 =	vimm.f32 $1.000000000e+00;
	s10 =	sadd.s32 s10, s11;
	s12 =	smax.u32 s31, $0x1;
	s11 =	sadd.s32 $0x4600, s29  }
.LBB2_1:
0x14: {  	[tilespmem:s5], [sflag:$0x2] =	stream.linear.gather [hbm4b:s6+s5], $0x100, $0x38;
	[tilespmem:$0xF200] =	vst v63  }
0x15: {  	s28 =	simm.s32 $0x0;
	s29 =	simm.s32 $0x200  }
0x16: {  	[tilespmem:s13], [sflag:$0x2] =	stream.linear.gather [hbm4b:s7+s5], $0x100, $0x38;
	[tilespmem:$0xF200] =	vst v63  }
.LBB2_2:
0x17: {  	p0 =	sne.s32 s29, $0x3E00;
	[tilespmem:s28+$0xC270] =	vst v0  }
0x18: {  	[tilespmem:s28+$0xC200] =	vst v0  }
0x19: {  	[tilespmem:s28+$0xC210] =	vst v0  }
.Ltmp0:
0x1a: {  	[tilespmem:s28+$0xC220] =	vst v0;
	(pc) =	sbr.rel @p0 .LBB2_2-.Ltmp0, $4  }
0x1b: {  	[tilespmem:s28+$0xC230] =	vst v0  }
0x1c: {  	[tilespmem:s28+$0xC240] =	vst v0  }
0x1d: {  	[tilespmem:s28+$0xC250] =	vst v0  }
0x1e: {  	[tilespmem:s28+$0xC260] =	vst v0;
	s28 =	sshra.s32 s29, $0x2;
	s29 =	sadd.s32 $0x200, s29  }
0x1f: {  	[tilespmem:s28+$0xC270] =	vst v0  }
0x20: {  	[tilespmem:s28+$0xC200] =	vst v0  }
0x21: {  	[tilespmem:s28+$0xC210] =	vst v0  }
0x22: {  	[tilespmem:s28+$0xC220] =	vst v0  }
0x23: {  	[tilespmem:s28+$0xC230] =	vst v0  }
0x24: {  	[tilespmem:s28+$0xC240] =	vst v0  }
0x25: {  	[tilespmem:s28+$0xC250] =	vst v0  }
0x26: {  	[tilespmem:s28+$0xC260] =	vst v0  }
0x27: {  	[spmem:s8] =	stream.linear.scatter [tilespmem:s14], [sflag:$0x1], $0x1000, $0x38;
	[tilespmem:$0xF200] =	vst v63  }
0x28: {  	_ = 	snop  }
0x29: {  	[spmem:s9] =	stream.linear.scatter [tilespmem:s14], [sflag:$0x1], $0x1000, $0x38;
	[tilespmem:$0xF200] =	vst v63  }
0x2a: {  	_ =	swait.ge [sflag:s15], $0x100  }
0x2b: {  	[sflag:s15] =	ssyncset.done $0x0  }
0x2c: {  	[sflag:s15] =	ssyncadd.s32 $0xFFFFFF00  }
0x2d: {  	_ =	swait.ge [sflag:s15], $0x100  }
0x2e: {  	[sflag:s15] =	ssyncset.done $0x0  }
0x2f: {  	s28 =	simm.s32 $0x0;
	[sflag:s15] =	ssyncadd.s32 $0xFFFFFF00  }
0x30: {  	[tilespmem:s17], [sflag:$0x3] =	stream.indirect.gather [hbm4b:s1+s16], $0x80, s28, s16, $0xb8;
	[tilespmem:$0xF200] =	vst v63  }
0x31: {  	s29 =	simm.s32 $0x200;
	s28 =	simm.s32 $0x0  }
0x32: {  	[tilespmem:s18], [sflag:$0x4] =	stream.indirect.gather [hbm4b:s1+s16], $0x80, s13, s16, $0xb8;
	[tilespmem:$0xF200] =	vst v63  }
.LBB2_4:
0x33: {  	p0 =	sne.s32 s29, $0xFE00;
	[tilespmem:s28+$0x8270] =	vst v1  }
0x34: {  	[tilespmem:s28+$0x8200] =	vst v1  }
0x35: {  	[tilespmem:s28+$0x8210] =	vst v1  }
.Ltmp1:
0x36: {  	[tilespmem:s28+$0x8220] =	vst v1;
	(pc) =	sbr.rel @p0 .LBB2_4-.Ltmp1, $4  }
0x37: {  	[tilespmem:s28+$0x8230] =	vst v1  }
0x38: {  	[tilespmem:s28+$0x8240] =	vst v1  }
0x39: {  	[tilespmem:s28+$0x8250] =	vst v1  }
0x3a: {  	[tilespmem:s28+$0x8260] =	vst v1;
	s28 =	sshra.s32 s29, $0x2;
	s29 =	sadd.s32 $0x200, s29  }
0x3b: {  	[tilespmem:s28+$0x8270] =	vst v1  }
0x3c: {  	[tilespmem:s28+$0x8200] =	vst v1  }
0x3d: {  	[tilespmem:s28+$0x8210] =	vst v1  }
0x3e: {  	[tilespmem:s28+$0x8220] =	vst v1  }
0x3f: {  	[tilespmem:s28+$0x8230] =	vst v1  }
0x40: {  	[tilespmem:s28+$0x8240] =	vst v1  }
0x41: {  	[tilespmem:s28+$0x8250] =	vst v1  }
0x42: {  	[tilespmem:s28+$0x8260] =	vst v1  }
0x43: {  	_ =	swait.ge [sflag:s19], $0x1000  }
0x44: {  	[sflag:s19] =	ssyncset.done $0x0  }
0x45: {  	[sflag:s19] =	ssyncadd.s32 $0xFFFFF000  }
0x46: {  	_ =	swait.ge [sflag:s19], $0x1000  }
0x47: {  	[sflag:s19] =	ssyncset.done $0x0  }
0x48: {  	[sflag:s19] =	ssyncadd.s32 $0xFFFFF000  }
0x49: {  	[bflag:$0x0] =	sbarrier.arrive $0xFFFF  }
0x4a: {  	_ =	swait.ge [sflag:s20], $0x4000  }
0x4b: {  	[sflag:s20] =	ssyncset.done $0x0  }
0x4c: {  	[sflag:s20] =	ssyncadd.s32 $0xFFFFC000  }
0x4d: {  	[spmem:s2] =	stream.indirect.scatter.add.f32 [tilespmem:s17], [sflag:$0x5], $0x80, s16, s16, $0xb8;
	[tilespmem:$0xF200] =	vst v63  }
0x4e: {  	_ = 	snop  }
0x4f: {  	[spmem:s3] =	stream.indirect.scatter.add.f32 [tilespmem:s21], [sflag:$0x5], $0x80, s16, s16, $0xb8;
	[tilespmem:$0xF200] =	vst v63  }
0x50: {  	_ =	swait.ge [sflag:s22], $0x4000  }
0x51: {  	[sflag:s22] =	ssyncset.done $0x0  }
0x52: {  	[sflag:s22] =	ssyncadd.s32 $0xFFFFC000  }
0x53: {  	[spmem:s2] =	stream.indirect.scatter.add.f32 [tilespmem:s18], [sflag:$0x5], $0x80, s23, s16, $0xb8;
	[tilespmem:$0xF200] =	vst v63  }
0x54: {  	_ = 	snop  }
0x55: {  	[spmem:s3] =	stream.indirect.scatter.add.f32 [tilespmem:s21], [sflag:$0x5], $0x80, s23, s16, $0xb8;
	[tilespmem:$0xF200] =	vst v63  }
0x56: {  	_ =	swait.ge [sflag:s24], $0x4000  }
0x57: {  	[sflag:s24] =	ssyncset.done $0x0  }
0x58: {  	[sflag:s24] =	ssyncadd.s32 $0xFFFFC000  }
0x59: {  	_ =	swait.ge [sflag:s24], $0x4000  }
0x5a: {  	[sflag:s24] =	ssyncset.done $0x0  }
0x5b: {  	[sflag:s24] =	ssyncadd.s32 $0xFFFFC000  }
0x5c: {  	_ =	swait.ge [sflag:s24], $0x4000  }
0x5d: {  	[sflag:s24] =	ssyncset.done $0x0  }
0x5e: {  	[sflag:s24] =	ssyncadd.s32 $0xFFFFC000  }
0x5f: {  	_ =	swait.ge [sflag:s24], $0x4000  }
0x60: {  	s30 =	sshll.u32 s4, $0x6;
	[sflag:s24] =	ssyncset.done $0x0  }
0x61: {  	s29 =	sshrl.u32 s8, $0x3;
	s31 =	sshrl.u32 s9, $0x3;
	[sflag:s24] =	ssyncadd.s32 $0xFFFFC000  }
0x62: {  	s26 =	sadd.s32 $0x1, s26;
	s28 =	sor.u32 $0x1C06, s30;
	[bflag:$0x0] =	sbarrier.arrive $0xFFFF  }
0x63: {  	[hbm:s10], [sflag:s28] =	dma.local [spmem:s29], $0x200  }
0x64: {  	[hbm:s11], [sflag:s28] =	dma.local [spmem:s31], $0x200  }
0x65: {  	p0 =	sne.s32 s26, s12;
	_ =	swait.ge [sflag:s25], $0x200  }
.Ltmp2:
0x66: {  	[sflag:s25] =	ssyncset.done $0x0;
	(pc) =	sbr.rel @p0 .LBB2_1-.Ltmp2, $4  }
0x67: {  	[sflag:s25] =	ssyncadd.s32 $0xFFFFFE00  }
0x68: {  	_ =	swait.ge [sflag:s25], $0x200  }
0x69: {  	[sflag:s25] =	ssyncset.done $0x0  }
0x6a: {  	[sflag:s25] =	ssyncadd.s32 $0xFFFFFE00  }
0x6b: {  	_ =	sfence.sel $0x180000  }
0x6c: {  	[bflag:$0x0] =	sbarrier.arrive $0xFFFF  }
0x6d: {  	p0 =	sne.s32 s4, $0x0;
	_ =	strace $0x90000047  }
0x6e: {  	s0 =	sadd.s32 @!p0 $0x100000, s0;
	[bflag:$0x2] =	sbarrier.arrive $0xFFFF  }
0x6f: {  	[sflag:s0] =	ssyncadd.tile.s32 @!p0 $0x1;
	_ =	shalt  }
.Lfunc_end2:
_tile_overlayer_lowered:
.L_overlay_start_2:
0x70: {  	(tag) =	ssettag $0x2  }
0x71: {  	s0 =	rddreg [dreg:$0x0];
	s2 =	stileid.u32  }
0x72: {  	s1 =	rddreg [dreg:$0x1];
	p0 =	sne.s32 s2, $0x0  }
0x73: {  	s3 =	rddreg [dreg:$0x2];
	[bflag:$0x3] =	sbarrier.arrive $0xFFFF;
	s2 =	simm.s32 @!p0 $0x1C07  }
0x74: {  	[timem:s3], [sflag:s2] =	dma.local @!p0 [hbm:s0], s1  }
0x75: {  	s0 =	simm.s32 @!p0 $0x7  }
0x76: {  	_ =	swait.ge @!p0 [sflag:s0], s1  }
0x77: {  	s1 =	ssub.s32 @!p0 $0x0, s1;
	[sflag:s0] =	ssyncset.done @!p0 $0x0  }
0x78: {  	[sflag:s0] =	ssyncadd.s32 @!p0 s1  }
0x79: {  	[bflag:$0x3] =	sbarrier.arrive $0xFFFF  }
0x7a: {  	_ =	shalt  }

</sc_bundles>
